<compile_context>
chip_gen: v7x
topology: tpu7x:2x2x1
jax: 0.10.2.dev20260603
libtpu: 0.0.44.dev20260713+nightly
codegen_flags: <defaults>
</compile_context>

<pallas_src>
import functools

import jax
import jax.numpy as jnp
from jax import lax
from jax.experimental import pallas as pl
from jax.experimental.pallas import tpu as pltpu
from jax.experimental.pallas import tpu_sc as plsc

MAXQ = 100
N = 4096
D = 1024

NW = 16
CHUNK = N // NW
NV = CHUNK // 16
LOCK = 32
ROWL = 48
BIGI = 2**30
INF = float("inf")


RB = 256
NRB = N // RB


def _mean_sim_body(x_ref, m_ref, xbf_c, inv_c, s_acc):
    p = pl.program_id(0)
    i = pl.program_id(1)

    @pl.when(p == 0)
    def _phase0():
        x = x_ref[...]
        xb16 = x.astype(jnp.bfloat16)
        xbf_c[pl.ds(i * RB, RB), :] = xb16
        inv = 1.0 / jnp.sqrt(jnp.sum(x * x, axis=1))
        inv_c[pl.ds(i * RB, RB)] = inv
        part = jnp.sum(inv[:, None] * xb16.astype(jnp.float32), axis=0,
                       keepdims=True)

        @pl.when(i == 0)
        def _init():
            s_acc[...] = part

        @pl.when(i > 0)
        def _accum():
            s_acc[...] = s_acc[...] + part

    @pl.when(p == 1)
    def _phase1():
        xbf = xbf_c[pl.ds(i * RB, RB), :].astype(jnp.float32)
        s = s_acc[...]
        t = jnp.sum(xbf * s, axis=1)
        m_ref[...] = t * inv_c[pl.ds(i * RB, RB)] * (1.0 / N)


_sc_mesh = plsc.VectorSubcoreMesh(core_axis_name="c", subcore_axis_name="s")


_GDN = lax.GatherDimensionNumbers(
    offset_dims=(), collapsed_slice_dims=(0,), start_index_map=(0,))


def _perm(v, idx):
    return lax.gather(v, idx[:, None], _GDN, (1,),
                      mode=lax.GatherScatterMode.PROMISE_IN_BOUNDS)


def _allmin(v, lanes):
    for sh in (1, 2, 4, 8):
        v = jnp.minimum(v, _perm(v, (lanes + sh) & 15))
    return v


_ONE_BITS = 0x3F800000


def _allmini(v, lanes):
    f = lax.bitcast_convert_type(v + _ONE_BITS, jnp.float32)
    f = _allmin(f, lanes)
    return lax.bitcast_convert_type(f, jnp.int32) - _ONE_BITS


@functools.partial(
    pl.kernel,
    mesh=_sc_mesh,
    compiler_params=pltpu.CompilerParams(needs_layout_passes=False),
    out_type=[
        jax.ShapeDtypeStruct((MAXQ, D), jnp.float32),
        jax.ShapeDtypeStruct((112,), jnp.int32),
    ],
    scratch_types=[
        pltpu.VMEM((CHUNK,), jnp.float32),
        pltpu.VMEM((ROWL,), jnp.float32),
        pltpu.VMEM((ROWL,), jnp.int32),
        pltpu.VMEM((NW * ROWL,), jnp.float32),
        pltpu.VMEM((NW * ROWL,), jnp.int32),
        pltpu.VMEM((112,), jnp.int32),
        pltpu.VMEM((8, D), jnp.float32),
        pltpu.VMEM_SHARED((NW * ROWL,), jnp.float32),
        pltpu.VMEM_SHARED((NW * ROWL,), jnp.int32),
        pltpu.SemaphoreType.DMA,
    ],
)
def _select_gather(m_hbm, x_hbm, rows_out, idx_out,
                   mv, lvals, lidx, catv, cati, idxbuf, rowbuf,
                   shv, shi, sem):
    cid = lax.axis_index("c")
    wid = lax.axis_index("s")
    lanes = lax.iota(jnp.int32, 16)

    @pl.when(cid == 0)
    def _core0():
        pltpu.sync_copy(m_hbm.at[pl.ds(wid * CHUNK, CHUNK)], mv)

        lvals[pl.ds(LOCK, 16)] = jnp.full((16,), INF, jnp.float32)
        lidx[pl.ds(LOCK, 16)] = jnp.full((16,), BIGI, jnp.int32)

        base = wid * CHUNK
        vals0 = [mv[pl.ds(j * 16, 16)] for j in range(NV)]
        gidx = [base + j * 16 + lanes for j in range(NV)]

        zf = jnp.zeros((16,), jnp.float32)
        zi = jnp.zeros((16,), jnp.int32)

        def ext_body(t, carry):
            vv = list(carry[:NV])
            av = list(carry[NV:NV + 2])
            ai = list(carry[NV + 2:NV + 4])
            m1 = vv[0]
            for j in range(1, NV):
                m1 = jnp.minimum(m1, vv[j])
            gmin = _allmin(m1, lanes)
            c1 = jnp.where(vv[0] == gmin, gidx[0], BIGI)
            for j in range(1, NV):
                c1 = jnp.minimum(c1, jnp.where(vv[j] == gmin, gidx[j], BIGI))
            gmi = _allmini(c1, lanes)
            for j in range(NV):
                vv[j] = jnp.where(gidx[j] == gmi, INF, vv[j])
            onehot = lanes == (t % 16)
            slot = t // 16
            for c in range(2):
                hit = (slot == c) & onehot
                av[c] = jnp.where(hit, gmin, av[c])
                ai[c] = jnp.where(hit, gmi, ai[c])
            return tuple(vv) + tuple(av) + tuple(ai)

        fin = lax.fori_loop(0, LOCK, ext_body,
                            tuple(vals0) + (zf, zf) + (zi, zi),
                            unroll=False)
        lvals[pl.ds(0, 16)] = fin[NV]
        lvals[pl.ds(16, 16)] = fin[NV + 1]
        lidx[pl.ds(0, 16)] = fin[NV + 2]
        lidx[pl.ds(16, 16)] = fin[NV + 3]

        pltpu.sync_copy(lvals, shv.at[pl.ds(wid * ROWL, ROWL)])
        pltpu.sync_copy(lidx, shi.at[pl.ds(wid * ROWL, ROWL)])
        plsc.subcore_barrier()
        pltpu.sync_copy(shv, catv)
        pltpu.sync_copy(shi, cati)

        NACC = 7

        def merge_body(k, carry):
            colptr = carry[0]
            accs = list(carry[1:])
            hv = plsc.load_gather(catv, [colptr])
            hi = plsc.load_gather(cati, [colptr])
            gmin = _allmin(hv, lanes)
            cand = jnp.where(hv == gmin, hi, BIGI)
            gmi = _allmini(cand, lanes)
            win = (hv == gmin) & (hi == gmi)
            onehot = lanes == (k % 16)
            slot = k // 16
            for c in range(NACC):
                accs[c] = jnp.where((slot == c) & onehot, gmi, accs[c])
            return (colptr + win.astype(jnp.int32),) + tuple(accs)

        mfin = lax.fori_loop(0, MAXQ, merge_body,
                             (lanes * ROWL,) + (zi,) * NACC,
                             unroll=False)
        for c in range(NACC):
            idxbuf[pl.ds(c * 16, 16)] = mfin[1 + c]

        @pl.when(wid == 0)
        def _widx():
            pltpu.sync_copy(idxbuf, idx_out)

        @pl.when(wid < 12)
        def _gfull():
            pltpu.async_copy(
                x_hbm.at[idxbuf.at[pl.ds(wid * 8, 8)]], rowbuf, sem).wait()
            pltpu.sync_copy(rowbuf, rows_out.at[pl.ds(wid * 8, 8)])

        @pl.when(wid == 12)
        def _gtail():
            pltpu.async_copy(
                x_hbm.at[idxbuf.at[pl.ds(96, 8)]], rowbuf, sem).wait()
            pltpu.sync_copy(rowbuf.at[pl.ds(0, 4)], rows_out.at[pl.ds(96, 4)])


def kernel(x):
    m = pl.pallas_call(
        _mean_sim_body,
        grid=(2, NRB),
        in_specs=[pl.BlockSpec(
            (RB, D), lambda p, i: (jnp.where(p == 0, i, NRB - 1), 0))],
        out_specs=pl.BlockSpec((RB,), lambda p, i: (i,)),
        out_shape=jax.ShapeDtypeStruct((N,), jnp.float32),
        scratch_shapes=[
            pltpu.VMEM((N, D), jnp.bfloat16),
            pltpu.VMEM((N,), jnp.float32),
            pltpu.VMEM((1, D), jnp.float32),
        ],
    )(x)
    top_vectors, idx_pad = _select_gather(m, x)
    return (top_vectors, idx_pad[:MAXQ])

# --- scband reference (transcript-rebuilt; emitter-appended) ---
"""Pipeline reference for scband-simdis-55525337202907 (READ-ONLY COPY).

The authoritative reference and input builder live on the scoring server;
editing this copy changes nothing except your own understanding.
"""

import jax, jax.numpy as jnp
import numpy as np

MAX_QUERY = 100
EPS = 1e-8


def setup_inputs(seed: int = 0) -> dict:
    key = jax.random.key(seed)
    x = jax.random.normal(key, (4096, 1024), dtype=jnp.float32)
    return {"x": x}


def reference(x):
    # cosine_similarity(x.unsqueeze(1), x.unsqueeze(0), dim=-1) computed as a
    # normalized Gram matrix (mathematically identical, avoids [N,N,d] blowup).
    norms = jnp.sqrt(jnp.sum(x * x, axis=-1))  # [N]
    denom = jnp.maximum(norms[:, None] * norms[None, :], EPS)  # [N, N]
    similarity_matrix = (x @ x.T) / denom  # [N, N]
    mean_similarity = jnp.mean(similarity_matrix, axis=1)  # [N]
    order = jnp.argsort(mean_similarity)
    max_index = order[:MAX_QUERY]
    top_vectors = jnp.take(x, max_index, axis=0)  # [max_query, d]
    return (top_vectors, max_index)

if __name__ == "__main__":
    import jax
    _d = setup_inputs()
    print(jax.jit(kernel)(*tuple(_d.values())))

</pallas_src>

<mosaic_0001>
#map = affine_map<(d0, d1) -> (0)>
#map1 = affine_map<(d0, d1) -> (0, 0)>
module attributes {stable_mosaic.version = 14 : i64} {
  func.func @_select_gather(%arg0: i32, %arg1: i32, %arg2: memref<4096xf32, #tpu.memory_space<hbm>>, %arg3: memref<4096x1024xf32, #tpu.memory_space<hbm>>, %arg4: memref<100x1024xf32, #tpu.memory_space<hbm>>, %arg5: memref<112xi32, #tpu.memory_space<hbm>>, %arg6: memref<256xf32, #tpu.memory_space<vmem>>, %arg7: memref<48xf32, #tpu.memory_space<vmem>>, %arg8: memref<48xi32, #tpu.memory_space<vmem>>, %arg9: memref<768xf32, #tpu.memory_space<vmem>>, %arg10: memref<768xi32, #tpu.memory_space<vmem>>, %arg11: memref<112xi32, #tpu.memory_space<vmem>>, %arg12: memref<8x1024xf32, #tpu.memory_space<vmem>>, %arg13: memref<768xf32, #tpu.memory_space<vmem_shared>>, %arg14: memref<768xi32, #tpu.memory_space<vmem_shared>>, %arg15: memref<!tpu.dma_semaphore, #tpu.memory_space<semaphore_mem>>) attributes {dimension_semantics = [#tpu.dimension_semantics<core_parallel>, #tpu.dimension_semantics<subcore_parallel>], iteration_bounds = array<i64: 2, 16>, scalar_prefetch = 0 : i64, scratch_operands = 10 : i64, tpu.core_type = #tpu.core_type<sc_vector_subcore>, window_params = [{transform_indices = #map}, {transform_indices = #map1}, {transform_indices = #map1}, {transform_indices = #map}]} {
    %iota3A = tpu.iota {dimensions = array<i32: 0>} : vector<16xi32>
    %eq3A = arith.constant 0 : i32
    %eq3A_0 = arith.cmpi eq, %arg0, %eq3A : i32
    %convert_element_type3A = arith.extui %eq3A_0 : i1 to i32
    %cond3A = arith.constant 0 : i32
    %cond3A_1 = arith.cmpi ne, %convert_element_type3A, %cond3A : i32
    scf.if %cond3A_1 {
      %mul3A = arith.constant 256 : i32
      %mul3A_2 = arith.muli %arg1, %mul3A : i32
      "tpu.region"() ({
        %run_scoped3A = tpu.sem_alloc : memref<!tpu.dma_semaphore, #tpu.memory_space<semaphore_mem>>
        %dma_start3A = tpu.memref_slice %arg2[%mul3A_2] : memref<4096xf32, #tpu.memory_space<hbm>> -> memref<256xf32, #tpu.memory_space<hbm>>
        %dma_start3A_163 = tpu.memref_slice %arg2[%mul3A_2] : memref<4096xf32, #tpu.memory_space<hbm>> -> memref<256xf32, #tpu.memory_space<hbm>>
        tpu.enqueue_dma source(%dma_start3A_163 : memref<256xf32, #tpu.memory_space<hbm>>) target(%arg6 : memref<256xf32, #tpu.memory_space<vmem>>) target_semaphore(%run_scoped3A : memref<!tpu.dma_semaphore, #tpu.memory_space<semaphore_mem>>)
        %dma_wait3A = tpu.memref_slice %arg2[%mul3A_2] : memref<4096xf32, #tpu.memory_space<hbm>> -> memref<256xf32, #tpu.memory_space<hbm>>
        %dma_wait3A_164 = tpu.memref_slice %arg2[%mul3A_2] : memref<4096xf32, #tpu.memory_space<hbm>> -> memref<256xf32, #tpu.memory_space<hbm>>
        tpu.wait_dma2 semaphore(%run_scoped3A : memref<!tpu.dma_semaphore, #tpu.memory_space<semaphore_mem>>) src(%dma_wait3A_164 : memref<256xf32, #tpu.memory_space<hbm>>) dst(%arg6 : memref<256xf32, #tpu.memory_space<vmem>>)
        tpu.yield
      }) : () -> ()
      %broadcast_in_dim3A = arith.constant 0x7F800000 : f32
      %broadcast_in_dim3A_3 = vector.broadcast %broadcast_in_dim3A : f32 to vector<16xf32>
      %swap3A = arith.constant 32 : index
      %swap3A_4 = tpu.vector_load %arg7[%swap3A] {strides = array<i32>} : memref<48xf32, #tpu.memory_space<vmem>>, vector<16xf32>,
      tpu.vector_store %arg7[%swap3A], %broadcast_in_dim3A_3 {strides = array<i32>} : memref<48xf32, #tpu.memory_space<vmem>>, vector<16xf32>,
      %broadcast_in_dim3A_5 = arith.constant 1073741824 : i32
      %broadcast_in_dim3A_6 = vector.broadcast %broadcast_in_dim3A_5 : i32 to vector<16xi32>
      %swap3A_7 = arith.constant 32 : index
      %swap3A_8 = tpu.vector_load %arg8[%swap3A_7] {strides = array<i32>} : memref<48xi32, #tpu.memory_space<vmem>>, vector<16xi32>,
      tpu.vector_store %arg8[%swap3A_7], %broadcast_in_dim3A_6 {strides = array<i32>} : memref<48xi32, #tpu.memory_space<vmem>>, vector<16xi32>,
      %mul3A_9 = arith.constant 256 : i32
      %mul3A_10 = arith.muli %arg1, %mul3A_9 : i32
      %get3A = arith.constant 0 : index
      %get3A_11 = tpu.vector_load %arg6[%get3A] {strides = array<i32>} : memref<256xf32, #tpu.memory_space<vmem>>, vector<16xf32>,
      %get3A_12 = arith.constant 16 : index
      %get3A_13 = tpu.vector_load %arg6[%get3A_12] {strides = array<i32>} : memref<256xf32, #tpu.memory_space<vmem>>, vector<16xf32>,
      %get3A_14 = arith.constant 32 : index
      %get3A_15 = tpu.vector_load %arg6[%get3A_14] {strides = array<i32>} : memref<256xf32, #tpu.memory_space<vmem>>, vector<16xf32>,
      %get3A_16 = arith.constant 48 : index
      %get3A_17 = tpu.vector_load %arg6[%get3A_16] {strides = array<i32>} : memref<256xf32, #tpu.memory_space<vmem>>, vector<16xf32>,
      %get3A_18 = arith.constant 64 : index
      %get3A_19 = tpu.vector_load %arg6[%get3A_18] {strides = array<i32>} : memref<256xf32, #tpu.memory_space<vmem>>, vector<16xf32>,
      %get3A_20 = arith.constant 80 : index
      %get3A_21 = tpu.vector_load %arg6[%get3A_20] {strides = array<i32>} : memref<256xf32, #tpu.memory_space<vmem>>, vector<16xf32>,
      %get3A_22 = arith.constant 96 : index
      %get3A_23 = tpu.vector_load %arg6[%get3A_22] {strides = array<i32>} : memref<256xf32, #tpu.memory_space<vmem>>, vector<16xf32>,
      %get3A_24 = arith.constant 112 : index
      %get3A_25 = tpu.vector_load %arg6[%get3A_24] {strides = array<i32>} : memref<256xf32, #tpu.memory_space<vmem>>, vector<16xf32>,
      %get3A_26 = arith.constant 128 : index
      %get3A_27 = tpu.vector_load %arg6[%get3A_26] {strides = array<i32>} : memref<256xf32, #tpu.memory_space<vmem>>, vector<16xf32>,
      %get3A_28 = arith.constant 144 : index
      %get3A_29 = tpu.vector_load %arg6[%get3A_28] {strides = array<i32>} : memref<256xf32, #tpu.memory_space<vmem>>, vector<16xf32>,
      %get3A_30 = arith.constant 160 : index
      %get3A_31 = tpu.vector_load %arg6[%get3A_30] {strides = array<i32>} : memref<256xf32, #tpu.memory_space<vmem>>, vector<16xf32>,
      %get3A_32 = arith.constant 176 : index
      %get3A_33 = tpu.vector_load %arg6[%get3A_32] {strides = array<i32>} : memref<256xf32, #tpu.memory_space<vmem>>, vector<16xf32>,
      %get3A_34 = arith.constant 192 : index
      %get3A_35 = tpu.vector_load %arg6[%get3A_34] {strides = array<i32>} : memref<256xf32, #tpu.memory_space<vmem>>, vector<16xf32>,
      %get3A_36 = arith.constant 208 : index
      %get3A_37 = tpu.vector_load %arg6[%get3A_36] {strides = array<i32>} : memref<256xf32, #tpu.memory_space<vmem>>, vector<16xf32>,
      %get3A_38 = arith.constant 224 : index
      %get3A_39 = tpu.vector_load %arg6[%get3A_38] {strides = array<i32>} : memref<256xf32, #tpu.memory_space<vmem>>, vector<16xf32>,
      %get3A_40 = arith.constant 240 : index
      %get3A_41 = tpu.vector_load %arg6[%get3A_40] {strides = array<i32>} : memref<256xf32, #tpu.memory_space<vmem>>, vector<16xf32>,
      %add3A = arith.constant 0 : i32
      %add3A_42 = arith.addi %mul3A_10, %add3A : i32
      %add3A_43 = vector.broadcast %add3A_42 : i32 to vector<16xi32>
      %add3A_44 = arith.addi %add3A_43, %iota3A : vector<16xi32>
      %add3A_45 = arith.constant 16 : i32
      %add3A_46 = arith.addi %mul3A_10, %add3A_45 : i32
      %add3A_47 = vector.broadcast %add3A_46 : i32 to vector<16xi32>
      %add3A_48 = arith.addi %add3A_47, %iota3A : vector<16xi32>
      %add3A_49 = arith.constant 32 : i32
      %add3A_50 = arith.addi %mul3A_10, %add3A_49 : i32
      %add3A_51 = vector.broadcast %add3A_50 : i32 to vector<16xi32>
      %add3A_52 = arith.addi %add3A_51, %iota3A : vector<16xi32>
      %add3A_53 = arith.constant 48 : i32
      %add3A_54 = arith.addi %mul3A_10, %add3A_53 : i32
      %add3A_55 = vector.broadcast %add3A_54 : i32 to vector<16xi32>
      %add3A_56 = arith.addi %add3A_55, %iota3A : vector<16xi32>
      %add3A_57 = arith.constant 64 : i32
      %add3A_58 = arith.addi %mul3A_10, %add3A_57 : i32
      %add3A_59 = vector.broadcast %add3A_58 : i32 to vector<16xi32>
      %add3A_60 = arith.addi %add3A_59, %iota3A : vector<16xi32>
      %add3A_61 = arith.constant 80 : i32
      %add3A_62 = arith.addi %mul3A_10, %add3A_61 : i32
      %add3A_63 = vector.broadcast %add3A_62 : i32 to vector<16xi32>
      %add3A_64 = arith.addi %add3A_63, %iota3A : vector<16xi32>
      %add3A_65 = arith.constant 96 : i32
      %add3A_66 = arith.addi %mul3A_10, %add3A_65 : i32
      %add3A_67 = vector.broadcast %add3A_66 : i32 to vector<16xi32>
      %add3A_68 = arith.addi %add3A_67, %iota3A : vector<16xi32>
      %add3A_69 = arith.constant 112 : i32
      %add3A_70 = arith.addi %mul3A_10, %add3A_69 : i32
      %add3A_71 = vector.broadcast %add3A_70 : i32 to vector<16xi32>
      %add3A_72 = arith.addi %add3A_71, %iota3A : vector<16xi32>
      %add3A_73 = arith.constant 128 : i32
      %add3A_74 = arith.addi %mul3A_10, %add3A_73 : i32
      %add3A_75 = vector.broadcast %add3A_74 : i32 to vector<16xi32>
      %add3A_76 = arith.addi %add3A_75, %iota3A : vector<16xi32>
      %add3A_77 = arith.constant 144 : i32
      %add3A_78 = arith.addi %mul3A_10, %add3A_77 : i32
      %add3A_79 = vector.broadcast %add3A_78 : i32 to vector<16xi32>
      %add3A_80 = arith.addi %add3A_79, %iota3A : vector<16xi32>
      %add3A_81 = arith.constant 160 : i32
      %add3A_82 = arith.addi %mul3A_10, %add3A_81 : i32
      %add3A_83 = vector.broadcast %add3A_82 : i32 to vector<16xi32>
      %add3A_84 = arith.addi %add3A_83, %iota3A : vector<16xi32>
      %add3A_85 = arith.constant 176 : i32
      %add3A_86 = arith.addi %mul3A_10, %add3A_85 : i32
      %add3A_87 = vector.broadcast %add3A_86 : i32 to vector<16xi32>
      %add3A_88 = arith.addi %add3A_87, %iota3A : vector<16xi32>
      %add3A_89 = arith.constant 192 : i32
      %add3A_90 = arith.addi %mul3A_10, %add3A_89 : i32
      %add3A_91 = vector.broadcast %add3A_90 : i32 to vector<16xi32>
      %add3A_92 = arith.addi %add3A_91, %iota3A : vector<16xi32>
      %add3A_93 = arith.constant 208 : i32
      %add3A_94 = arith.addi %mul3A_10, %add3A_93 : i32
      %add3A_95 = vector.broadcast %add3A_94 : i32 to vector<16xi32>
      %add3A_96 = arith.addi %add3A_95, %iota3A : vector<16xi32>
      %add3A_97 = arith.constant 224 : i32
      %add3A_98 = arith.addi %mul3A_10, %add3A_97 : i32
      %add3A_99 = vector.broadcast %add3A_98 : i32 to vector<16xi32>
      %add3A_100 = arith.addi %add3A_99, %iota3A : vector<16xi32>
      %add3A_101 = arith.constant 240 : i32
      %add3A_102 = arith.addi %mul3A_10, %add3A_101 : i32
      %add3A_103 = vector.broadcast %add3A_102 : i32 to vector<16xi32>
      %add3A_104 = arith.addi %add3A_103, %iota3A : vector<16xi32>
      %broadcast_in_dim3A_105 = arith.constant 0.000000e+00 : f32
      %broadcast_in_dim3A_106 = vector.broadcast %broadcast_in_dim3A_105 : f32 to vector<16xf32>
      %broadcast_in_dim3A_107 = arith.constant 0 : i32
      %broadcast_in_dim3A_108 = vector.broadcast %broadcast_in_dim3A_107 : i32 to vector<16xi32>
      %scan3A = arith.constant 0 : i32
      %scan3A_109 = arith.constant 32 : i32
      %scan3A_110 = arith.addi %scan3A, %scan3A_109 : i32
      %scan3A_111 = arith.constant 1 : i32
      %scan3A_112:20 = scf.for %scan3A_163 = %scan3A to %scan3A_110 step %scan3A_111 iter_args(%scan3A_164 = %get3A_11, %scan3A_165 = %get3A_13, %scan3A_166 = %get3A_15, %scan3A_167 = %get3A_17, %scan3A_168 = %get3A_19, %scan3A_169 = %get3A_21, %scan3A_170 = %get3A_23, %scan3A_171 = %get3A_25, %scan3A_172 = %get3A_27, %scan3A_173 = %get3A_29, %scan3A_174 = %get3A_31, %scan3A_175 = %get3A_33, %scan3A_176 = %get3A_35, %scan3A_177 = %get3A_37, %scan3A_178 = %get3A_39, %scan3A_179 = %get3A_41, %scan3A_180 = %broadcast_in_dim3A_106, %scan3A_181 = %broadcast_in_dim3A_106, %scan3A_182 = %broadcast_in_dim3A_108, %scan3A_183 = %broadcast_in_dim3A_108) -> (vector<16xf32>, vector<16xf32>, vector<16xf32>, vector<16xf32>, vector<16xf32>, vector<16xf32>, vector<16xf32>, vector<16xf32>, vector<16xf32>, vector<16xf32>, vector<16xf32>, vector<16xf32>, vector<16xf32>, vector<16xf32>, vector<16xf32>, vector<16xf32>, vector<16xf32>, vector<16xf32>, vector<16xi32>, vector<16xi32>)  : i32 {
        %min3A = arith.minimumf %scan3A_164, %scan3A_165 : vector<16xf32>
        %min3A_184 = arith.minimumf %min3A, %scan3A_166 : vector<16xf32>
        %min3A_185 = arith.minimumf %min3A_184, %scan3A_167 : vector<16xf32>
        %min3A_186 = arith.minimumf %min3A_185, %scan3A_168 : vector<16xf32>
        %min3A_187 = arith.minimumf %min3A_186, %scan3A_169 : vector<16xf32>
        %min3A_188 = arith.minimumf %min3A_187, %scan3A_170 : vector<16xf32>
        %min3A_189 = arith.minimumf %min3A_188, %scan3A_171 : vector<16xf32>
        %min3A_190 = arith.minimumf %min3A_189, %scan3A_172 : vector<16xf32>
        %min3A_191 = arith.minimumf %min3A_190, %scan3A_173 : vector<16xf32>
        %min3A_192 = arith.minimumf %min3A_191, %scan3A_174 : vector<16xf32>
        %min3A_193 = arith.minimumf %min3A_192, %scan3A_175 : vector<16xf32>
        %min3A_194 = arith.minimumf %min3A_193, %scan3A_176 : vector<16xf32>
        %min3A_195 = arith.minimumf %min3A_194, %scan3A_177 : vector<16xf32>
        %min3A_196 = arith.minimumf %min3A_195, %scan3A_178 : vector<16xf32>
        %min3A_197 = arith.minimumf %min3A_196, %scan3A_179 : vector<16xf32>
        %add3A_198 = arith.constant 1 : i32
        %add3A_199 = vector.broadcast %add3A_198 : i32 to vector<16xi32>
        %add3A_200 = arith.addi %iota3A, %add3A_199 : vector<16xi32>
        %and3A = arith.constant 15 : i32
        %and3A_201 = vector.broadcast %and3A : i32 to vector<16xi32>
        %and3A_202 = arith.andi %add3A_200, %and3A_201 : vector<16xi32>
        %broadcast_in_dim3A_203 = vector.shape_cast %and3A_202 : vector<16xi32> to vector<16x1xi32>
        %gather3A = vector.shape_cast %broadcast_in_dim3A_203 : vector<16x1xi32> to vector<16xi32>
        %gather3A_204 = tpu.dynamic_gather %min3A_197[%gather3A] in [0] : vector<16xf32>, vector<16xi32> -> vector<16xf32>
        %min3A_205 = arith.minimumf %min3A_197, %gather3A_204 : vector<16xf32>
        %add3A_206 = arith.constant 2 : i32
        %add3A_207 = vector.broadcast %add3A_206 : i32 to vector<16xi32>
        %add3A_208 = arith.addi %iota3A, %add3A_207 : vector<16xi32>
        %and3A_209 = arith.constant 15 : i32
        %and3A_210 = vector.broadcast %and3A_209 : i32 to vector<16xi32>
        %and3A_211 = arith.andi %add3A_208, %and3A_210 : vector<16xi32>
        %broadcast_in_dim3A_212 = vector.shape_cast %and3A_211 : vector<16xi32> to vector<16x1xi32>
        %gather3A_213 = vector.shape_cast %broadcast_in_dim3A_212 : vector<16x1xi32> to vector<16xi32>
        %gather3A_214 = tpu.dynamic_gather %min3A_205[%gather3A_213] in [0] : vector<16xf32>, vector<16xi32> -> vector<16xf32>
        %min3A_215 = arith.minimumf %min3A_205, %gather3A_214 : vector<16xf32>
        %add3A_216 = arith.constant 4 : i32
        %add3A_217 = vector.broadcast %add3A_216 : i32 to vector<16xi32>
        %add3A_218 = arith.addi %iota3A, %add3A_217 : vector<16xi32>
        %and3A_219 = arith.constant 15 : i32
        %and3A_220 = vector.broadcast %and3A_219 : i32 to vector<16xi32>
        %and3A_221 = arith.andi %add3A_218, %and3A_220 : vector<16xi32>
        %broadcast_in_dim3A_222 = vector.shape_cast %and3A_221 : vector<16xi32> to vector<16x1xi32>
        %gather3A_223 = vector.shape_cast %broadcast_in_dim3A_222 : vector<16x1xi32> to vector<16xi32>
        %gather3A_224 = tpu.dynamic_gather %min3A_215[%gather3A_223] in [0] : vector<16xf32>, vector<16xi32> -> vector<16xf32>
        %min3A_225 = arith.minimumf %min3A_215, %gather3A_224 : vector<16xf32>
        %add3A_226 = arith.constant 8 : i32
        %add3A_227 = vector.broadcast %add3A_226 : i32 to vector<16xi32>
        %add3A_228 = arith.addi %iota3A, %add3A_227 : vector<16xi32>
        %and3A_229 = arith.constant 15 : i32
        %and3A_230 = vector.broadcast %and3A_229 : i32 to vector<16xi32>
        %and3A_231 = arith.andi %add3A_228, %and3A_230 : vector<16xi32>
        %broadcast_in_dim3A_232 = vector.shape_cast %and3A_231 : vector<16xi32> to vector<16x1xi32>
        %gather3A_233 = vector.shape_cast %broadcast_in_dim3A_232 : vector<16x1xi32> to vector<16xi32>
        %gather3A_234 = tpu.dynamic_gather %min3A_225[%gather3A_233] in [0] : vector<16xf32>, vector<16xi32> -> vector<16xf32>
        %min3A_235 = arith.minimumf %min3A_225, %gather3A_234 : vector<16xf32>
        %eq3A_236 = arith.cmpf oeq, %scan3A_164, %min3A_235 : vector<16xf32>
        %jit3A = arith.constant 1073741824 : i32
        %broadcast_in_dim3A_237 = vector.broadcast %jit3A : i32 to vector<16xi32>
        %select_n3A = arith.select %eq3A_236, %add3A_44, %broadcast_in_dim3A_237 : vector<16xi1>, vector<16xi32>
        %eq3A_238 = arith.cmpf oeq, %scan3A_165, %min3A_235 : vector<16xf32>
        %jit3A_239 = arith.constant 1073741824 : i32
        %broadcast_in_dim3A_240 = vector.broadcast %jit3A_239 : i32 to vector<16xi32>
        %select_n3A_241 = arith.select %eq3A_238, %add3A_48, %broadcast_in_dim3A_240 : vector<16xi1>, vector<16xi32>
        %min3A_242 = arith.minsi %select_n3A, %select_n3A_241 : vector<16xi32>
        %eq3A_243 = arith.cmpf oeq, %scan3A_166, %min3A_235 : vector<16xf32>
        %jit3A_244 = arith.constant 1073741824 : i32
        %broadcast_in_dim3A_245 = vector.broadcast %jit3A_244 : i32 to vector<16xi32>
        %select_n3A_246 = arith.select %eq3A_243, %add3A_52, %broadcast_in_dim3A_245 : vector<16xi1>, vector<16xi32>
        %min3A_247 = arith.minsi %min3A_242, %select_n3A_246 : vector<16xi32>
        %eq3A_248 = arith.cmpf oeq, %scan3A_167, %min3A_235 : vector<16xf32>
        %jit3A_249 = arith.constant 1073741824 : i32
        %broadcast_in_dim3A_250 = vector.broadcast %jit3A_249 : i32 to vector<16xi32>
        %select_n3A_251 = arith.select %eq3A_248, %add3A_56, %broadcast_in_dim3A_250 : vector<16xi1>, vector<16xi32>
        %min3A_252 = arith.minsi %min3A_247, %select_n3A_251 : vector<16xi32>
        %eq3A_253 = arith.cmpf oeq, %scan3A_168, %min3A_235 : vector<16xf32>
        %jit3A_254 = arith.constant 1073741824 : i32
        %broadcast_in_dim3A_255 = vector.broadcast %jit3A_254 : i32 to vector<16xi32>
        %select_n3A_256 = arith.select %eq3A_253, %add3A_60, %broadcast_in_dim3A_255 : vector<16xi1>, vector<16xi32>
        %min3A_257 = arith.minsi %min3A_252, %select_n3A_256 : vector<16xi32>
        %eq3A_258 = arith.cmpf oeq, %scan3A_169, %min3A_235 : vector<16xf32>
        %jit3A_259 = arith.constant 1073741824 : i32
        %broadcast_in_dim3A_260 = vector.broadcast %jit3A_259 : i32 to vector<16xi32>
        %select_n3A_261 = arith.select %eq3A_258, %add3A_64, %broadcast_in_dim3A_260 : vector<16xi1>, vector<16xi32>
        %min3A_262 = arith.minsi %min3A_257, %select_n3A_261 : vector<16xi32>
        %eq3A_263 = arith.cmpf oeq, %scan3A_170, %min3A_235 : vector<16xf32>
        %jit3A_264 = arith.constant 1073741824 : i32
        %broadcast_in_dim3A_265 = vector.broadcast %jit3A_264 : i32 to vector<16xi32>
        %select_n3A_266 = arith.select %eq3A_263, %add3A_68, %broadcast_in_dim3A_265 : vector<16xi1>, vector<16xi32>
        %min3A_267 = arith.minsi %min3A_262, %select_n3A_266 : vector<16xi32>
        %eq3A_268 = arith.cmpf oeq, %scan3A_171, %min3A_235 : vector<16xf32>
        %jit3A_269 = arith.constant 1073741824 : i32
        %broadcast_in_dim3A_270 = vector.broadcast %jit3A_269 : i32 to vector<16xi32>
        %select_n3A_271 = arith.select %eq3A_268, %add3A_72, %broadcast_in_dim3A_270 : vector<16xi1>, vector<16xi32>
        %min3A_272 = arith.minsi %min3A_267, %select_n3A_271 : vector<16xi32>
        %eq3A_273 = arith.cmpf oeq, %scan3A_172, %min3A_235 : vector<16xf32>
        %jit3A_274 = arith.constant 1073741824 : i32
        %broadcast_in_dim3A_275 = vector.broadcast %jit3A_274 : i32 to vector<16xi32>
        %select_n3A_276 = arith.select %eq3A_273, %add3A_76, %broadcast_in_dim3A_275 : vector<16xi1>, vector<16xi32>
        %min3A_277 = arith.minsi %min3A_272, %select_n3A_276 : vector<16xi32>
        %eq3A_278 = arith.cmpf oeq, %scan3A_173, %min3A_235 : vector<16xf32>
        %jit3A_279 = arith.constant 1073741824 : i32
        %broadcast_in_dim3A_280 = vector.broadcast %jit3A_279 : i32 to vector<16xi32>
        %select_n3A_281 = arith.select %eq3A_278, %add3A_80, %broadcast_in_dim3A_280 : vector<16xi1>, vector<16xi32>
        %min3A_282 = arith.minsi %min3A_277, %select_n3A_281 : vector<16xi32>
        %eq3A_283 = arith.cmpf oeq, %scan3A_174, %min3A_235 : vector<16xf32>
        %jit3A_284 = arith.constant 1073741824 : i32
        %broadcast_in_dim3A_285 = vector.broadcast %jit3A_284 : i32 to vector<16xi32>
        %select_n3A_286 = arith.select %eq3A_283, %add3A_84, %broadcast_in_dim3A_285 : vector<16xi1>, vector<16xi32>
        %min3A_287 = arith.minsi %min3A_282, %select_n3A_286 : vector<16xi32>
        %eq3A_288 = arith.cmpf oeq, %scan3A_175, %min3A_235 : vector<16xf32>
        %jit3A_289 = arith.constant 1073741824 : i32
        %broadcast_in_dim3A_290 = vector.broadcast %jit3A_289 : i32 to vector<16xi32>
        %select_n3A_291 = arith.select %eq3A_288, %add3A_88, %broadcast_in_dim3A_290 : vector<16xi1>, vector<16xi32>
        %min3A_292 = arith.minsi %min3A_287, %select_n3A_291 : vector<16xi32>
        %eq3A_293 = arith.cmpf oeq, %scan3A_176, %min3A_235 : vector<16xf32>
        %jit3A_294 = arith.constant 1073741824 : i32
        %broadcast_in_dim3A_295 = vector.broadcast %jit3A_294 : i32 to vector<16xi32>
        %select_n3A_296 = arith.select %eq3A_293, %add3A_92, %broadcast_in_dim3A_295 : vector<16xi1>, vector<16xi32>
        %min3A_297 = arith.minsi %min3A_292, %select_n3A_296 : vector<16xi32>
        %eq3A_298 = arith.cmpf oeq, %scan3A_177, %min3A_235 : vector<16xf32>
        %jit3A_299 = arith.constant 1073741824 : i32
        %broadcast_in_dim3A_300 = vector.broadcast %jit3A_299 : i32 to vector<16xi32>
        %select_n3A_301 = arith.select %eq3A_298, %add3A_96, %broadcast_in_dim3A_300 : vector<16xi1>, vector<16xi32>
        %min3A_302 = arith.minsi %min3A_297, %select_n3A_301 : vector<16xi32>
        %eq3A_303 = arith.cmpf oeq, %scan3A_178, %min3A_235 : vector<16xf32>
        %jit3A_304 = arith.constant 1073741824 : i32
        %broadcast_in_dim3A_305 = vector.broadcast %jit3A_304 : i32 to vector<16xi32>
        %select_n3A_306 = arith.select %eq3A_303, %add3A_100, %broadcast_in_dim3A_305 : vector<16xi1>, vector<16xi32>
        %min3A_307 = arith.minsi %min3A_302, %select_n3A_306 : vector<16xi32>
        %eq3A_308 = arith.cmpf oeq, %scan3A_179, %min3A_235 : vector<16xf32>
        %jit3A_309 = arith.constant 1073741824 : i32
        %broadcast_in_dim3A_310 = vector.broadcast %jit3A_309 : i32 to vector<16xi32>
        %select_n3A_311 = arith.select %eq3A_308, %add3A_104, %broadcast_in_dim3A_310 : vector<16xi1>, vector<16xi32>
        %min3A_312 = arith.minsi %min3A_307, %select_n3A_311 : vector<16xi32>
        %add3A_313 = arith.constant 1065353216 : i32
        %add3A_314 = vector.broadcast %add3A_313 : i32 to vector<16xi32>
        %add3A_315 = arith.addi %min3A_312, %add3A_314 : vector<16xi32>
        %bitcast_convert_type3A = tpu.bitcast %add3A_315 : vector<16xi32> -> vector<16xf32>
        %add3A_316 = arith.constant 1 : i32
        %add3A_317 = vector.broadcast %add3A_316 : i32 to vector<16xi32>
        %add3A_318 = arith.addi %iota3A, %add3A_317 : vector<16xi32>
        %and3A_319 = arith.constant 15 : i32
        %and3A_320 = vector.broadcast %and3A_319 : i32 to vector<16xi32>
        %and3A_321 = arith.andi %add3A_318, %and3A_320 : vector<16xi32>
        %broadcast_in_dim3A_322 = vector.shape_cast %and3A_321 : vector<16xi32> to vector<16x1xi32>
        %gather3A_323 = vector.shape_cast %broadcast_in_dim3A_322 : vector<16x1xi32> to vector<16xi32>
        %gather3A_324 = tpu.dynamic_gather %bitcast_convert_type3A[%gather3A_323] in [0] : vector<16xf32>, vector<16xi32> -> vector<16xf32>
        %min3A_325 = arith.minimumf %bitcast_convert_type3A, %gather3A_324 : vector<16xf32>
        %add3A_326 = arith.constant 2 : i32
        %add3A_327 = vector.broadcast %add3A_326 : i32 to vector<16xi32>
        %add3A_328 = arith.addi %iota3A, %add3A_327 : vector<16xi32>
        %and3A_329 = arith.constant 15 : i32
        %and3A_330 = vector.broadcast %and3A_329 : i32 to vector<16xi32>
        %and3A_331 = arith.andi %add3A_328, %and3A_330 : vector<16xi32>
        %broadcast_in_dim3A_332 = vector.shape_cast %and3A_331 : vector<16xi32> to vector<16x1xi32>
        %gather3A_333 = vector.shape_cast %broadcast_in_dim3A_332 : vector<16x1xi32> to vector<16xi32>
        %gather3A_334 = tpu.dynamic_gather %min3A_325[%gather3A_333] in [0] : vector<16xf32>, vector<16xi32> -> vector<16xf32>
        %min3A_335 = arith.minimumf %min3A_325, %gather3A_334 : vector<16xf32>
        %add3A_336 = arith.constant 4 : i32
        %add3A_337 = vector.broadcast %add3A_336 : i32 to vector<16xi32>
        %add3A_338 = arith.addi %iota3A, %add3A_337 : vector<16xi32>
        %and3A_339 = arith.constant 15 : i32
        %and3A_340 = vector.broadcast %and3A_339 : i32 to vector<16xi32>
        %and3A_341 = arith.andi %add3A_338, %and3A_340 : vector<16xi32>
        %broadcast_in_dim3A_342 = vector.shape_cast %and3A_341 : vector<16xi32> to vector<16x1xi32>
        %gather3A_343 = vector.shape_cast %broadcast_in_dim3A_342 : vector<16x1xi32> to vector<16xi32>
        %gather3A_344 = tpu.dynamic_gather %min3A_335[%gather3A_343] in [0] : vector<16xf32>, vector<16xi32> -> vector<16xf32>
        %min3A_345 = arith.minimumf %min3A_335, %gather3A_344 : vector<16xf32>
        %add3A_346 = arith.constant 8 : i32
        %add3A_347 = vector.broadcast %add3A_346 : i32 to vector<16xi32>
        %add3A_348 = arith.addi %iota3A, %add3A_347 : vector<16xi32>
        %and3A_349 = arith.constant 15 : i32
        %and3A_350 = vector.broadcast %and3A_349 : i32 to vector<16xi32>
        %and3A_351 = arith.andi %add3A_348, %and3A_350 : vector<16xi32>
        %broadcast_in_dim3A_352 = vector.shape_cast %and3A_351 : vector<16xi32> to vector<16x1xi32>
        %gather3A_353 = vector.shape_cast %broadcast_in_dim3A_352 : vector<16x1xi32> to vector<16xi32>
        %gather3A_354 = tpu.dynamic_gather %min3A_345[%gather3A_353] in [0] : vector<16xf32>, vector<16xi32> -> vector<16xf32>
        %min3A_355 = arith.minimumf %min3A_345, %gather3A_354 : vector<16xf32>
        %bitcast_convert_type3A_356 = tpu.bitcast %min3A_355 : vector<16xf32> -> vector<16xi32>
        %sub3A = arith.constant 1065353216 : i32
        %sub3A_357 = vector.broadcast %sub3A : i32 to vector<16xi32>
        %sub3A_358 = arith.subi %bitcast_convert_type3A_356, %sub3A_357 : vector<16xi32>
        %eq3A_359 = arith.cmpi eq, %add3A_44, %sub3A_358 : vector<16xi32>
        %jit3A_360 = arith.constant 0x7F800000 : f32
        %broadcast_in_dim3A_361 = vector.broadcast %jit3A_360 : f32 to vector<16xf32>
        %select_n3A_362 = arith.select %eq3A_359, %broadcast_in_dim3A_361, %scan3A_164 : vector<16xi1>, vector<16xf32>
        %eq3A_363 = arith.cmpi eq, %add3A_48, %sub3A_358 : vector<16xi32>
        %jit3A_364 = arith.constant 0x7F800000 : f32
        %broadcast_in_dim3A_365 = vector.broadcast %jit3A_364 : f32 to vector<16xf32>
        %select_n3A_366 = arith.select %eq3A_363, %broadcast_in_dim3A_365, %scan3A_165 : vector<16xi1>, vector<16xf32>
        %eq3A_367 = arith.cmpi eq, %add3A_52, %sub3A_358 : vector<16xi32>
        %jit3A_368 = arith.constant 0x7F800000 : f32
        %broadcast_in_dim3A_369 = vector.broadcast %jit3A_368 : f32 to vector<16xf32>
        %select_n3A_370 = arith.select %eq3A_367, %broadcast_in_dim3A_369, %scan3A_166 : vector<16xi1>, vector<16xf32>
        %eq3A_371 = arith.cmpi eq, %add3A_56, %sub3A_358 : vector<16xi32>
        %jit3A_372 = arith.constant 0x7F800000 : f32
        %broadcast_in_dim3A_373 = vector.broadcast %jit3A_372 : f32 to vector<16xf32>
        %select_n3A_374 = arith.select %eq3A_371, %broadcast_in_dim3A_373, %scan3A_167 : vector<16xi1>, vector<16xf32>
        %eq3A_375 = arith.cmpi eq, %add3A_60, %sub3A_358 : vector<16xi32>
        %jit3A_376 = arith.constant 0x7F800000 : f32
        %broadcast_in_dim3A_377 = vector.broadcast %jit3A_376 : f32 to vector<16xf32>
        %select_n3A_378 = arith.select %eq3A_375, %broadcast_in_dim3A_377, %scan3A_168 : vector<16xi1>, vector<16xf32>
        %eq3A_379 = arith.cmpi eq, %add3A_64, %sub3A_358 : vector<16xi32>
        %jit3A_380 = arith.constant 0x7F800000 : f32
        %broadcast_in_dim3A_381 = vector.broadcast %jit3A_380 : f32 to vector<16xf32>
        %select_n3A_382 = arith.select %eq3A_379, %broadcast_in_dim3A_381, %scan3A_169 : vector<16xi1>, vector<16xf32>
        %eq3A_383 = arith.cmpi eq, %add3A_68, %sub3A_358 : vector<16xi32>
        %jit3A_384 = arith.constant 0x7F800000 : f32
        %broadcast_in_dim3A_385 = vector.broadcast %jit3A_384 : f32 to vector<16xf32>
        %select_n3A_386 = arith.select %eq3A_383, %broadcast_in_dim3A_385, %scan3A_170 : vector<16xi1>, vector<16xf32>
        %eq3A_387 = arith.cmpi eq, %add3A_72, %sub3A_358 : vector<16xi32>
        %jit3A_388 = arith.constant 0x7F800000 : f32
        %broadcast_in_dim3A_389 = vector.broadcast %jit3A_388 : f32 to vector<16xf32>
        %select_n3A_390 = arith.select %eq3A_387, %broadcast_in_dim3A_389, %scan3A_171 : vector<16xi1>, vector<16xf32>
        %eq3A_391 = arith.cmpi eq, %add3A_76, %sub3A_358 : vector<16xi32>
        %jit3A_392 = arith.constant 0x7F800000 : f32
        %broadcast_in_dim3A_393 = vector.broadcast %jit3A_392 : f32 to vector<16xf32>
        %select_n3A_394 = arith.select %eq3A_391, %broadcast_in_dim3A_393, %scan3A_172 : vector<16xi1>, vector<16xf32>
        %eq3A_395 = arith.cmpi eq, %add3A_80, %sub3A_358 : vector<16xi32>
        %jit3A_396 = arith.constant 0x7F800000 : f32
        %broadcast_in_dim3A_397 = vector.broadcast %jit3A_396 : f32 to vector<16xf32>
        %select_n3A_398 = arith.select %eq3A_395, %broadcast_in_dim3A_397, %scan3A_173 : vector<16xi1>, vector<16xf32>
        %eq3A_399 = arith.cmpi eq, %add3A_84, %sub3A_358 : vector<16xi32>
        %jit3A_400 = arith.constant 0x7F800000 : f32
        %broadcast_in_dim3A_401 = vector.broadcast %jit3A_400 : f32 to vector<16xf32>
        %select_n3A_402 = arith.select %eq3A_399, %broadcast_in_dim3A_401, %scan3A_174 : vector<16xi1>, vector<16xf32>
        %eq3A_403 = arith.cmpi eq, %add3A_88, %sub3A_358 : vector<16xi32>
        %jit3A_404 = arith.constant 0x7F800000 : f32
        %broadcast_in_dim3A_405 = vector.broadcast %jit3A_404 : f32 to vector<16xf32>
        %select_n3A_406 = arith.select %eq3A_403, %broadcast_in_dim3A_405, %scan3A_175 : vector<16xi1>, vector<16xf32>
        %eq3A_407 = arith.cmpi eq, %add3A_92, %sub3A_358 : vector<16xi32>
        %jit3A_408 = arith.constant 0x7F800000 : f32
        %broadcast_in_dim3A_409 = vector.broadcast %jit3A_408 : f32 to vector<16xf32>
        %select_n3A_410 = arith.select %eq3A_407, %broadcast_in_dim3A_409, %scan3A_176 : vector<16xi1>, vector<16xf32>
        %eq3A_411 = arith.cmpi eq, %add3A_96, %sub3A_358 : vector<16xi32>
        %jit3A_412 = arith.constant 0x7F800000 : f32
        %broadcast_in_dim3A_413 = vector.broadcast %jit3A_412 : f32 to vector<16xf32>
        %select_n3A_414 = arith.select %eq3A_411, %broadcast_in_dim3A_413, %scan3A_177 : vector<16xi1>, vector<16xf32>
        %eq3A_415 = arith.cmpi eq, %add3A_100, %sub3A_358 : vector<16xi32>
        %jit3A_416 = arith.constant 0x7F800000 : f32
        %broadcast_in_dim3A_417 = vector.broadcast %jit3A_416 : f32 to vector<16xf32>
        %select_n3A_418 = arith.select %eq3A_415, %broadcast_in_dim3A_417, %scan3A_178 : vector<16xi1>, vector<16xf32>
        %eq3A_419 = arith.cmpi eq, %add3A_104, %sub3A_358 : vector<16xi32>
        %jit3A_420 = arith.constant 0x7F800000 : f32
        %broadcast_in_dim3A_421 = vector.broadcast %jit3A_420 : f32 to vector<16xf32>
        %select_n3A_422 = arith.select %eq3A_419, %broadcast_in_dim3A_421, %scan3A_179 : vector<16xi1>, vector<16xf32>
        %jit3A_423 = arith.constant 16 : i32
        %eq3A_424 = arith.constant 0 : i32
        %eq3A_425 = arith.cmpi eq, %jit3A_423, %eq3A_424 : i32
        %jit3A_426 = arith.constant 1 : i32
        %select_n3A_427 = arith.select %eq3A_425, %jit3A_426, %jit3A_423 : i32
        %rem3A = arith.remsi %scan3A_163, %select_n3A_427 : i32
        %ne3A = arith.constant 0 : i32
        %ne3A_428 = arith.cmpi ne, %rem3A, %ne3A : i32
        %lt3A_429 = arith.constant 0 : i32
        %lt3A_430 = arith.cmpi slt, %rem3A, %lt3A_429 : i32
        %lt3A_431 = arith.constant 0 : i32
        %lt3A_432 = arith.cmpi slt, %select_n3A_427, %lt3A_431 : i32
        %ne3A_433 = arith.xori %lt3A_430, %lt3A_432 : i1
        %and3A_434 = arith.andi %ne3A_433, %ne3A_428 : i1
        %add3A_435 = arith.addi %rem3A, %select_n3A_427 : i32
        %select_n3A_436 = arith.select %and3A_434, %add3A_435, %rem3A : i32
        %eq3A_437 = vector.broadcast %select_n3A_436 : i32 to vector<16xi32>
        %eq3A_438 = arith.cmpi eq, %iota3A, %eq3A_437 : vector<16xi32>
        %jit3A_439 = arith.constant 16 : i32
        %div3A = arith.divsi %scan3A_163, %jit3A_439 : i32
        %sign3A = arith.constant 0 : i32
        %sign3A_440 = arith.cmpi sgt, %scan3A_163, %sign3A : i32
        %sign3A_441 = arith.extui %sign3A_440 : i1 to i32
        %sign3A_442 = arith.constant 0 : i32
        %sign3A_443 = arith.cmpi slt, %scan3A_163, %sign3A_442 : i32
        %sign3A_444 = arith.extui %sign3A_443 : i1 to i32
        %sign3A_445 = arith.subi %sign3A_441, %sign3A_444 : i32
        %sign3A_446 = arith.constant 0 : i32
        %sign3A_447 = arith.cmpi sgt, %jit3A_439, %sign3A_446 : i32
        %sign3A_448 = arith.extui %sign3A_447 : i1 to i32
        %sign3A_449 = arith.constant 0 : i32
        %sign3A_450 = arith.cmpi slt, %jit3A_439, %sign3A_449 : i32
        %sign3A_451 = arith.extui %sign3A_450 : i1 to i32
        %sign3A_452 = arith.subi %sign3A_448, %sign3A_451 : i32
        %ne3A_453 = arith.cmpi ne, %sign3A_445, %sign3A_452 : i32
        %rem3A_454 = arith.remsi %scan3A_163, %jit3A_439 : i32
        %ne3A_455 = arith.constant 0 : i32
        %ne3A_456 = arith.cmpi ne, %rem3A_454, %ne3A_455 : i32
        %and3A_457 = arith.andi %ne3A_453, %ne3A_456 : i1
        %sub3A_458 = arith.constant 1 : i32
        %sub3A_459 = arith.subi %div3A, %sub3A_458 : i32
        %select_n3A_460 = arith.select %and3A_457, %sub3A_459, %div3A : i32
        %eq3A_461 = arith.constant 0 : i32
        %eq3A_462 = arith.cmpi eq, %select_n3A_460, %eq3A_461 : i32
        %and3A_463 = vector.broadcast %eq3A_462 : i1 to vector<16xi1>
        %and3A_464 = arith.andi %and3A_463, %eq3A_438 : vector<16xi1>
        %select_n3A_465 = arith.select %and3A_464, %min3A_235, %scan3A_180 : vector<16xi1>, vector<16xf32>
        %select_n3A_466 = arith.select %and3A_464, %sub3A_358, %scan3A_182 : vector<16xi1>, vector<16xi32>
        %eq3A_467 = arith.constant 1 : i32
        %eq3A_468 = arith.cmpi eq, %select_n3A_460, %eq3A_467 : i32
        %and3A_469 = vector.broadcast %eq3A_468 : i1 to vector<16xi1>
        %and3A_470 = arith.andi %and3A_469, %eq3A_438 : vector<16xi1>
        %select_n3A_471 = arith.select %and3A_470, %min3A_235, %scan3A_181 : vector<16xi1>, vector<16xf32>
        %select_n3A_472 = arith.select %and3A_470, %sub3A_358, %scan3A_183 : vector<16xi1>, vector<16xi32>
        scf.yield %select_n3A_362, %select_n3A_366, %select_n3A_370, %select_n3A_374, %select_n3A_378, %select_n3A_382, %select_n3A_386, %select_n3A_390, %select_n3A_394, %select_n3A_398, %select_n3A_402, %select_n3A_406, %select_n3A_410, %select_n3A_414, %select_n3A_418, %select_n3A_422, %select_n3A_465, %select_n3A_471, %select_n3A_466, %select_n3A_472 : vector<16xf32>, vector<16xf32>, vector<16xf32>, vector<16xf32>, vector<16xf32>, vector<16xf32>, vector<16xf32>, vector<16xf32>, vector<16xf32>, vector<16xf32>, vector<16xf32>, vector<16xf32>, vector<16xf32>, vector<16xf32>, vector<16xf32>, vector<16xf32>, vector<16xf32>, vector<16xf32>, vector<16xi32>, vector<16xi32>
      }
      %scan3A_113 = arith.constant 32 : i32
      %swap3A_114 = arith.constant 0 : index
      %swap3A_115 = tpu.vector_load %arg7[%swap3A_114] {strides = array<i32>} : memref<48xf32, #tpu.memory_space<vmem>>, vector<16xf32>,
      tpu.vector_store %arg7[%swap3A_114], %scan3A_112#16 {strides = array<i32>} : memref<48xf32, #tpu.memory_space<vmem>>, vector<16xf32>,
      %swap3A_116 = arith.constant 16 : index
      %swap3A_117 = tpu.vector_load %arg7[%swap3A_116] {strides = array<i32>} : memref<48xf32, #tpu.memory_space<vmem>>, vector<16xf32>,
      tpu.vector_store %arg7[%swap3A_116], %scan3A_112#17 {strides = array<i32>} : memref<48xf32, #tpu.memory_space<vmem>>, vector<16xf32>,
      %swap3A_118 = arith.constant 0 : index
      %swap3A_119 = tpu.vector_load %arg8[%swap3A_118] {strides = array<i32>} : memref<48xi32, #tpu.memory_space<vmem>>, vector<16xi32>,
      tpu.vector_store %arg8[%swap3A_118], %scan3A_112#18 {strides = array<i32>} : memref<48xi32, #tpu.memory_space<vmem>>, vector<16xi32>,
      %swap3A_120 = arith.constant 16 : index
      %swap3A_121 = tpu.vector_load %arg8[%swap3A_120] {strides = array<i32>} : memref<48xi32, #tpu.memory_space<vmem>>, vector<16xi32>,
      tpu.vector_store %arg8[%swap3A_120], %scan3A_112#19 {strides = array<i32>} : memref<48xi32, #tpu.memory_space<vmem>>, vector<16xi32>,
      %mul3A_122 = arith.constant 48 : i32
      %mul3A_123 = arith.muli %arg1, %mul3A_122 : i32
      "tpu.region"() ({
        %run_scoped3A = tpu.sem_alloc : memref<!tpu.dma_semaphore, #tpu.memory_space<semaphore_mem>>
        %dma_start3A = tpu.memref_slice %arg13[%mul3A_123] : memref<768xf32, #tpu.memory_space<vmem_shared>> -> memref<48xf32, #tpu.memory_space<vmem_shared>>
        %dma_start3A_163 = tpu.memref_slice %arg13[%mul3A_123] : memref<768xf32, #tpu.memory_space<vmem_shared>> -> memref<48xf32, #tpu.memory_space<vmem_shared>>
        tpu.enqueue_dma source(%arg7 : memref<48xf32, #tpu.memory_space<vmem>>) target(%dma_start3A_163 : memref<48xf32, #tpu.memory_space<vmem_shared>>) target_semaphore(%run_scoped3A : memref<!tpu.dma_semaphore, #tpu.memory_space<semaphore_mem>>)
        %dma_wait3A = tpu.memref_slice %arg13[%mul3A_123] : memref<768xf32, #tpu.memory_space<vmem_shared>> -> memref<48xf32, #tpu.memory_space<vmem_shared>>
        %dma_wait3A_164 = tpu.memref_slice %arg13[%mul3A_123] : memref<768xf32, #tpu.memory_space<vmem_shared>> -> memref<48xf32, #tpu.memory_space<vmem_shared>>
        tpu.wait_dma2 semaphore(%run_scoped3A : memref<!tpu.dma_semaphore, #tpu.memory_space<semaphore_mem>>) src(%arg7 : memref<48xf32, #tpu.memory_space<vmem>>) dst(%dma_wait3A_164 : memref<48xf32, #tpu.memory_space<vmem_shared>>)
        tpu.yield
      }) : () -> ()
      %mul3A_124 = arith.constant 48 : i32
      %mul3A_125 = arith.muli %arg1, %mul3A_124 : i32
      "tpu.region"() ({
        %run_scoped3A = tpu.sem_alloc : memref<!tpu.dma_semaphore, #tpu.memory_space<semaphore_mem>>
        %dma_start3A = tpu.memref_slice %arg14[%mul3A_125] : memref<768xi32, #tpu.memory_space<vmem_shared>> -> memref<48xi32, #tpu.memory_space<vmem_shared>>
        %dma_start3A_163 = tpu.memref_slice %arg14[%mul3A_125] : memref<768xi32, #tpu.memory_space<vmem_shared>> -> memref<48xi32, #tpu.memory_space<vmem_shared>>
        tpu.enqueue_dma source(%arg8 : memref<48xi32, #tpu.memory_space<vmem>>) target(%dma_start3A_163 : memref<48xi32, #tpu.memory_space<vmem_shared>>) target_semaphore(%run_scoped3A : memref<!tpu.dma_semaphore, #tpu.memory_space<semaphore_mem>>)
        %dma_wait3A = tpu.memref_slice %arg14[%mul3A_125] : memref<768xi32, #tpu.memory_space<vmem_shared>> -> memref<48xi32, #tpu.memory_space<vmem_shared>>
        %dma_wait3A_164 = tpu.memref_slice %arg14[%mul3A_125] : memref<768xi32, #tpu.memory_space<vmem_shared>> -> memref<48xi32, #tpu.memory_space<vmem_shared>>
        tpu.wait_dma2 semaphore(%run_scoped3A : memref<!tpu.dma_semaphore, #tpu.memory_space<semaphore_mem>>) src(%arg8 : memref<48xi32, #tpu.memory_space<vmem>>) dst(%dma_wait3A_164 : memref<48xi32, #tpu.memory_space<vmem_shared>>)
        tpu.yield
      }) : () -> ()
      %barrier3A = arith.constant 0 : index
      tpu.barrier barrier_id(%barrier3A)
      "tpu.region"() ({
        %run_scoped3A = tpu.sem_alloc : memref<!tpu.dma_semaphore, #tpu.memory_space<semaphore_mem>>
        tpu.enqueue_dma source(%arg13 : memref<768xf32, #tpu.memory_space<vmem_shared>>) target(%arg9 : memref<768xf32, #tpu.memory_space<vmem>>) target_semaphore(%run_scoped3A : memref<!tpu.dma_semaphore, #tpu.memory_space<semaphore_mem>>)
        tpu.wait_dma2 semaphore(%run_scoped3A : memref<!tpu.dma_semaphore, #tpu.memory_space<semaphore_mem>>) src(%arg13 : memref<768xf32, #tpu.memory_space<vmem_shared>>) dst(%arg9 : memref<768xf32, #tpu.memory_space<vmem>>)
        tpu.yield
      }) : () -> ()
      "tpu.region"() ({
        %run_scoped3A = tpu.sem_alloc : memref<!tpu.dma_semaphore, #tpu.memory_space<semaphore_mem>>
        tpu.enqueue_dma source(%arg14 : memref<768xi32, #tpu.memory_space<vmem_shared>>) target(%arg10 : memref<768xi32, #tpu.memory_space<vmem>>) target_semaphore(%run_scoped3A : memref<!tpu.dma_semaphore, #tpu.memory_space<semaphore_mem>>)
        tpu.wait_dma2 semaphore(%run_scoped3A : memref<!tpu.dma_semaphore, #tpu.memory_space<semaphore_mem>>) src(%arg14 : memref<768xi32, #tpu.memory_space<vmem_shared>>) dst(%arg10 : memref<768xi32, #tpu.memory_space<vmem>>)
        tpu.yield
      }) : () -> ()
      %mul3A_126 = arith.constant 48 : i32
      %mul3A_127 = vector.broadcast %mul3A_126 : i32 to vector<16xi32>
      %mul3A_128 = arith.muli %iota3A, %mul3A_127 : vector<16xi32>
      %scan3A_129 = arith.constant 0 : i32
      %scan3A_130 = arith.constant 100 : i32
      %scan3A_131 = arith.addi %scan3A_129, %scan3A_130 : i32
      %scan3A_132 = arith.constant 1 : i32
      %scan3A_133:8 = scf.for %scan3A_163 = %scan3A_129 to %scan3A_131 step %scan3A_132 iter_args(%scan3A_164 = %mul3A_128, %scan3A_165 = %broadcast_in_dim3A_108, %scan3A_166 = %broadcast_in_dim3A_108, %scan3A_167 = %broadcast_in_dim3A_108, %scan3A_168 = %broadcast_in_dim3A_108, %scan3A_169 = %broadcast_in_dim3A_108, %scan3A_170 = %broadcast_in_dim3A_108, %scan3A_171 = %broadcast_in_dim3A_108) -> (vector<16xi32>, vector<16xi32>, vector<16xi32>, vector<16xi32>, vector<16xi32>, vector<16xi32>, vector<16xi32>, vector<16xi32>)  : i32 {
        %gather3A = tpu.vector_load_idx %arg9[%scan3A_164] : memref<768xf32, #tpu.memory_space<vmem>>[vector<16xi32>], vector<16xf32>,
        %gather3A_172 = tpu.vector_load_idx %arg10[%scan3A_164] : memref<768xi32, #tpu.memory_space<vmem>>[vector<16xi32>], vector<16xi32>,
        %add3A_173 = arith.constant 1 : i32
        %add3A_174 = vector.broadcast %add3A_173 : i32 to vector<16xi32>
        %add3A_175 = arith.addi %iota3A, %add3A_174 : vector<16xi32>
        %and3A = arith.constant 15 : i32
        %and3A_176 = vector.broadcast %and3A : i32 to vector<16xi32>
        %and3A_177 = arith.andi %add3A_175, %and3A_176 : vector<16xi32>
        %broadcast_in_dim3A_178 = vector.shape_cast %and3A_177 : vector<16xi32> to vector<16x1xi32>
        %gather3A_179 = vector.shape_cast %broadcast_in_dim3A_178 : vector<16x1xi32> to vector<16xi32>
        %gather3A_180 = tpu.dynamic_gather %gather3A[%gather3A_179] in [0] : vector<16xf32>, vector<16xi32> -> vector<16xf32>
        %min3A = arith.minimumf %gather3A, %gather3A_180 : vector<16xf32>
        %add3A_181 = arith.constant 2 : i32
        %add3A_182 = vector.broadcast %add3A_181 : i32 to vector<16xi32>
        %add3A_183 = arith.addi %iota3A, %add3A_182 : vector<16xi32>
        %and3A_184 = arith.constant 15 : i32
        %and3A_185 = vector.broadcast %and3A_184 : i32 to vector<16xi32>
        %and3A_186 = arith.andi %add3A_183, %and3A_185 : vector<16xi32>
        %broadcast_in_dim3A_187 = vector.shape_cast %and3A_186 : vector<16xi32> to vector<16x1xi32>
        %gather3A_188 = vector.shape_cast %broadcast_in_dim3A_187 : vector<16x1xi32> to vector<16xi32>
        %gather3A_189 = tpu.dynamic_gather %min3A[%gather3A_188] in [0] : vector<16xf32>, vector<16xi32> -> vector<16xf32>
        %min3A_190 = arith.minimumf %min3A, %gather3A_189 : vector<16xf32>
        %add3A_191 = arith.constant 4 : i32
        %add3A_192 = vector.broadcast %add3A_191 : i32 to vector<16xi32>
        %add3A_193 = arith.addi %iota3A, %add3A_192 : vector<16xi32>
        %and3A_194 = arith.constant 15 : i32
        %and3A_195 = vector.broadcast %and3A_194 : i32 to vector<16xi32>
        %and3A_196 = arith.andi %add3A_193, %and3A_195 : vector<16xi32>
        %broadcast_in_dim3A_197 = vector.shape_cast %and3A_196 : vector<16xi32> to vector<16x1xi32>
        %gather3A_198 = vector.shape_cast %broadcast_in_dim3A_197 : vector<16x1xi32> to vector<16xi32>
        %gather3A_199 = tpu.dynamic_gather %min3A_190[%gather3A_198] in [0] : vector<16xf32>, vector<16xi32> -> vector<16xf32>
        %min3A_200 = arith.minimumf %min3A_190, %gather3A_199 : vector<16xf32>
        %add3A_201 = arith.constant 8 : i32
        %add3A_202 = vector.broadcast %add3A_201 : i32 to vector<16xi32>
        %add3A_203 = arith.addi %iota3A, %add3A_202 : vector<16xi32>
        %and3A_204 = arith.constant 15 : i32
        %and3A_205 = vector.broadcast %and3A_204 : i32 to vector<16xi32>
        %and3A_206 = arith.andi %add3A_203, %and3A_205 : vector<16xi32>
        %broadcast_in_dim3A_207 = vector.shape_cast %and3A_206 : vector<16xi32> to vector<16x1xi32>
        %gather3A_208 = vector.shape_cast %broadcast_in_dim3A_207 : vector<16x1xi32> to vector<16xi32>
        %gather3A_209 = tpu.dynamic_gather %min3A_200[%gather3A_208] in [0] : vector<16xf32>, vector<16xi32> -> vector<16xf32>
        %min3A_210 = arith.minimumf %min3A_200, %gather3A_209 : vector<16xf32>
        %eq3A_211 = arith.cmpf oeq, %gather3A, %min3A_210 : vector<16xf32>
        %jit3A = arith.constant 1073741824 : i32
        %broadcast_in_dim3A_212 = vector.broadcast %jit3A : i32 to vector<16xi32>
        %select_n3A = arith.select %eq3A_211, %gather3A_172, %broadcast_in_dim3A_212 : vector<16xi1>, vector<16xi32>
        %add3A_213 = arith.constant 1065353216 : i32
        %add3A_214 = vector.broadcast %add3A_213 : i32 to vector<16xi32>
        %add3A_215 = arith.addi %select_n3A, %add3A_214 : vector<16xi32>
        %bitcast_convert_type3A = tpu.bitcast %add3A_215 : vector<16xi32> -> vector<16xf32>
        %add3A_216 = arith.constant 1 : i32
        %add3A_217 = vector.broadcast %add3A_216 : i32 to vector<16xi32>
        %add3A_218 = arith.addi %iota3A, %add3A_217 : vector<16xi32>
        %and3A_219 = arith.constant 15 : i32
        %and3A_220 = vector.broadcast %and3A_219 : i32 to vector<16xi32>
        %and3A_221 = arith.andi %add3A_218, %and3A_220 : vector<16xi32>
        %broadcast_in_dim3A_222 = vector.shape_cast %and3A_221 : vector<16xi32> to vector<16x1xi32>
        %gather3A_223 = vector.shape_cast %broadcast_in_dim3A_222 : vector<16x1xi32> to vector<16xi32>
        %gather3A_224 = tpu.dynamic_gather %bitcast_convert_type3A[%gather3A_223] in [0] : vector<16xf32>, vector<16xi32> -> vector<16xf32>
        %min3A_225 = arith.minimumf %bitcast_convert_type3A, %gather3A_224 : vector<16xf32>
        %add3A_226 = arith.constant 2 : i32
        %add3A_227 = vector.broadcast %add3A_226 : i32 to vector<16xi32>
        %add3A_228 = arith.addi %iota3A, %add3A_227 : vector<16xi32>
        %and3A_229 = arith.constant 15 : i32
        %and3A_230 = vector.broadcast %and3A_229 : i32 to vector<16xi32>
        %and3A_231 = arith.andi %add3A_228, %and3A_230 : vector<16xi32>
        %broadcast_in_dim3A_232 = vector.shape_cast %and3A_231 : vector<16xi32> to vector<16x1xi32>
        %gather3A_233 = vector.shape_cast %broadcast_in_dim3A_232 : vector<16x1xi32> to vector<16xi32>
        %gather3A_234 = tpu.dynamic_gather %min3A_225[%gather3A_233] in [0] : vector<16xf32>, vector<16xi32> -> vector<16xf32>
        %min3A_235 = arith.minimumf %min3A_225, %gather3A_234 : vector<16xf32>
        %add3A_236 = arith.constant 4 : i32
        %add3A_237 = vector.broadcast %add3A_236 : i32 to vector<16xi32>
        %add3A_238 = arith.addi %iota3A, %add3A_237 : vector<16xi32>
        %and3A_239 = arith.constant 15 : i32
        %and3A_240 = vector.broadcast %and3A_239 : i32 to vector<16xi32>
        %and3A_241 = arith.andi %add3A_238, %and3A_240 : vector<16xi32>
        %broadcast_in_dim3A_242 = vector.shape_cast %and3A_241 : vector<16xi32> to vector<16x1xi32>
        %gather3A_243 = vector.shape_cast %broadcast_in_dim3A_242 : vector<16x1xi32> to vector<16xi32>
        %gather3A_244 = tpu.dynamic_gather %min3A_235[%gather3A_243] in [0] : vector<16xf32>, vector<16xi32> -> vector<16xf32>
        %min3A_245 = arith.minimumf %min3A_235, %gather3A_244 : vector<16xf32>
        %add3A_246 = arith.constant 8 : i32
        %add3A_247 = vector.broadcast %add3A_246 : i32 to vector<16xi32>
        %add3A_248 = arith.addi %iota3A, %add3A_247 : vector<16xi32>
        %and3A_249 = arith.constant 15 : i32
        %and3A_250 = vector.broadcast %and3A_249 : i32 to vector<16xi32>
        %and3A_251 = arith.andi %add3A_248, %and3A_250 : vector<16xi32>
        %broadcast_in_dim3A_252 = vector.shape_cast %and3A_251 : vector<16xi32> to vector<16x1xi32>
        %gather3A_253 = vector.shape_cast %broadcast_in_dim3A_252 : vector<16x1xi32> to vector<16xi32>
        %gather3A_254 = tpu.dynamic_gather %min3A_245[%gather3A_253] in [0] : vector<16xf32>, vector<16xi32> -> vector<16xf32>
        %min3A_255 = arith.minimumf %min3A_245, %gather3A_254 : vector<16xf32>
        %bitcast_convert_type3A_256 = tpu.bitcast %min3A_255 : vector<16xf32> -> vector<16xi32>
        %sub3A = arith.constant 1065353216 : i32
        %sub3A_257 = vector.broadcast %sub3A : i32 to vector<16xi32>
        %sub3A_258 = arith.subi %bitcast_convert_type3A_256, %sub3A_257 : vector<16xi32>
        %eq3A_259 = arith.cmpf oeq, %gather3A, %min3A_210 : vector<16xf32>
        %eq3A_260 = arith.cmpi eq, %gather3A_172, %sub3A_258 : vector<16xi32>
        %and3A_261 = arith.andi %eq3A_259, %eq3A_260 : vector<16xi1>
        %jit3A_262 = arith.constant 16 : i32
        %eq3A_263 = arith.constant 0 : i32
        %eq3A_264 = arith.cmpi eq, %jit3A_262, %eq3A_263 : i32
        %jit3A_265 = arith.constant 1 : i32
        %select_n3A_266 = arith.select %eq3A_264, %jit3A_265, %jit3A_262 : i32
        %rem3A = arith.remsi %scan3A_163, %select_n3A_266 : i32
        %ne3A = arith.constant 0 : i32
        %ne3A_267 = arith.cmpi ne, %rem3A, %ne3A : i32
        %lt3A_268 = arith.constant 0 : i32
        %lt3A_269 = arith.cmpi slt, %rem3A, %lt3A_268 : i32
        %lt3A_270 = arith.constant 0 : i32
        %lt3A_271 = arith.cmpi slt, %select_n3A_266, %lt3A_270 : i32
        %ne3A_272 = arith.xori %lt3A_269, %lt3A_271 : i1
        %and3A_273 = arith.andi %ne3A_272, %ne3A_267 : i1
        %add3A_274 = arith.addi %rem3A, %select_n3A_266 : i32
        %select_n3A_275 = arith.select %and3A_273, %add3A_274, %rem3A : i32
        %eq3A_276 = vector.broadcast %select_n3A_275 : i32 to vector<16xi32>
        %eq3A_277 = arith.cmpi eq, %iota3A, %eq3A_276 : vector<16xi32>
        %jit3A_278 = arith.constant 16 : i32
        %div3A = arith.divsi %scan3A_163, %jit3A_278 : i32
        %sign3A = arith.constant 0 : i32
        %sign3A_279 = arith.cmpi sgt, %scan3A_163, %sign3A : i32
        %sign3A_280 = arith.extui %sign3A_279 : i1 to i32
        %sign3A_281 = arith.constant 0 : i32
        %sign3A_282 = arith.cmpi slt, %scan3A_163, %sign3A_281 : i32
        %sign3A_283 = arith.extui %sign3A_282 : i1 to i32
        %sign3A_284 = arith.subi %sign3A_280, %sign3A_283 : i32
        %sign3A_285 = arith.constant 0 : i32
        %sign3A_286 = arith.cmpi sgt, %jit3A_278, %sign3A_285 : i32
        %sign3A_287 = arith.extui %sign3A_286 : i1 to i32
        %sign3A_288 = arith.constant 0 : i32
        %sign3A_289 = arith.cmpi slt, %jit3A_278, %sign3A_288 : i32
        %sign3A_290 = arith.extui %sign3A_289 : i1 to i32
        %sign3A_291 = arith.subi %sign3A_287, %sign3A_290 : i32
        %ne3A_292 = arith.cmpi ne, %sign3A_284, %sign3A_291 : i32
        %rem3A_293 = arith.remsi %scan3A_163, %jit3A_278 : i32
        %ne3A_294 = arith.constant 0 : i32
        %ne3A_295 = arith.cmpi ne, %rem3A_293, %ne3A_294 : i32
        %and3A_296 = arith.andi %ne3A_292, %ne3A_295 : i1
        %sub3A_297 = arith.constant 1 : i32
        %sub3A_298 = arith.subi %div3A, %sub3A_297 : i32
        %select_n3A_299 = arith.select %and3A_296, %sub3A_298, %div3A : i32
        %eq3A_300 = arith.constant 0 : i32
        %eq3A_301 = arith.cmpi eq, %select_n3A_299, %eq3A_300 : i32
        %and3A_302 = vector.broadcast %eq3A_301 : i1 to vector<16xi1>
        %and3A_303 = arith.andi %and3A_302, %eq3A_277 : vector<16xi1>
        %select_n3A_304 = arith.select %and3A_303, %sub3A_258, %scan3A_165 : vector<16xi1>, vector<16xi32>
        %eq3A_305 = arith.constant 1 : i32
        %eq3A_306 = arith.cmpi eq, %select_n3A_299, %eq3A_305 : i32
        %and3A_307 = vector.broadcast %eq3A_306 : i1 to vector<16xi1>
        %and3A_308 = arith.andi %and3A_307, %eq3A_277 : vector<16xi1>
        %select_n3A_309 = arith.select %and3A_308, %sub3A_258, %scan3A_166 : vector<16xi1>, vector<16xi32>
        %eq3A_310 = arith.constant 2 : i32
        %eq3A_311 = arith.cmpi eq, %select_n3A_299, %eq3A_310 : i32
        %and3A_312 = vector.broadcast %eq3A_311 : i1 to vector<16xi1>
        %and3A_313 = arith.andi %and3A_312, %eq3A_277 : vector<16xi1>
        %select_n3A_314 = arith.select %and3A_313, %sub3A_258, %scan3A_167 : vector<16xi1>, vector<16xi32>
        %eq3A_315 = arith.constant 3 : i32
        %eq3A_316 = arith.cmpi eq, %select_n3A_299, %eq3A_315 : i32
        %and3A_317 = vector.broadcast %eq3A_316 : i1 to vector<16xi1>
        %and3A_318 = arith.andi %and3A_317, %eq3A_277 : vector<16xi1>
        %select_n3A_319 = arith.select %and3A_318, %sub3A_258, %scan3A_168 : vector<16xi1>, vector<16xi32>
        %eq3A_320 = arith.constant 4 : i32
        %eq3A_321 = arith.cmpi eq, %select_n3A_299, %eq3A_320 : i32
        %and3A_322 = vector.broadcast %eq3A_321 : i1 to vector<16xi1>
        %and3A_323 = arith.andi %and3A_322, %eq3A_277 : vector<16xi1>
        %select_n3A_324 = arith.select %and3A_323, %sub3A_258, %scan3A_169 : vector<16xi1>, vector<16xi32>
        %eq3A_325 = arith.constant 5 : i32
        %eq3A_326 = arith.cmpi eq, %select_n3A_299, %eq3A_325 : i32
        %and3A_327 = vector.broadcast %eq3A_326 : i1 to vector<16xi1>
        %and3A_328 = arith.andi %and3A_327, %eq3A_277 : vector<16xi1>
        %select_n3A_329 = arith.select %and3A_328, %sub3A_258, %scan3A_170 : vector<16xi1>, vector<16xi32>
        %eq3A_330 = arith.constant 6 : i32
        %eq3A_331 = arith.cmpi eq, %select_n3A_299, %eq3A_330 : i32
        %and3A_332 = vector.broadcast %eq3A_331 : i1 to vector<16xi1>
        %and3A_333 = arith.andi %and3A_332, %eq3A_277 : vector<16xi1>
        %select_n3A_334 = arith.select %and3A_333, %sub3A_258, %scan3A_171 : vector<16xi1>, vector<16xi32>
        %convert_element_type3A_335 = arith.extui %and3A_261 : vector<16xi1> to vector<16xi32>
        %add3A_336 = arith.addi %scan3A_164, %convert_element_type3A_335 : vector<16xi32>
        scf.yield %add3A_336, %select_n3A_304, %select_n3A_309, %select_n3A_314, %select_n3A_319, %select_n3A_324, %select_n3A_329, %select_n3A_334 : vector<16xi32>, vector<16xi32>, vector<16xi32>, vector<16xi32>, vector<16xi32>, vector<16xi32>, vector<16xi32>, vector<16xi32>
      }
      %scan3A_134 = arith.constant 100 : i32
      %swap3A_135 = arith.constant 0 : index
      %swap3A_136 = tpu.vector_load %arg11[%swap3A_135] {strides = array<i32>} : memref<112xi32, #tpu.memory_space<vmem>>, vector<16xi32>,
      tpu.vector_store %arg11[%swap3A_135], %scan3A_133#1 {strides = array<i32>} : memref<112xi32, #tpu.memory_space<vmem>>, vector<16xi32>,
      %swap3A_137 = arith.constant 16 : index
      %swap3A_138 = tpu.vector_load %arg11[%swap3A_137] {strides = array<i32>} : memref<112xi32, #tpu.memory_space<vmem>>, vector<16xi32>,
      tpu.vector_store %arg11[%swap3A_137], %scan3A_133#2 {strides = array<i32>} : memref<112xi32, #tpu.memory_space<vmem>>, vector<16xi32>,
      %swap3A_139 = arith.constant 32 : index
      %swap3A_140 = tpu.vector_load %arg11[%swap3A_139] {strides = array<i32>} : memref<112xi32, #tpu.memory_space<vmem>>, vector<16xi32>,
      tpu.vector_store %arg11[%swap3A_139], %scan3A_133#3 {strides = array<i32>} : memref<112xi32, #tpu.memory_space<vmem>>, vector<16xi32>,
      %swap3A_141 = arith.constant 48 : index
      %swap3A_142 = tpu.vector_load %arg11[%swap3A_141] {strides = array<i32>} : memref<112xi32, #tpu.memory_space<vmem>>, vector<16xi32>,
      tpu.vector_store %arg11[%swap3A_141], %scan3A_133#4 {strides = array<i32>} : memref<112xi32, #tpu.memory_space<vmem>>, vector<16xi32>,
      %swap3A_143 = arith.constant 64 : index
      %swap3A_144 = tpu.vector_load %arg11[%swap3A_143] {strides = array<i32>} : memref<112xi32, #tpu.memory_space<vmem>>, vector<16xi32>,
      tpu.vector_store %arg11[%swap3A_143], %scan3A_133#5 {strides = array<i32>} : memref<112xi32, #tpu.memory_space<vmem>>, vector<16xi32>,
      %swap3A_145 = arith.constant 80 : index
      %swap3A_146 = tpu.vector_load %arg11[%swap3A_145] {strides = array<i32>} : memref<112xi32, #tpu.memory_space<vmem>>, vector<16xi32>,
      tpu.vector_store %arg11[%swap3A_145], %scan3A_133#6 {strides = array<i32>} : memref<112xi32, #tpu.memory_space<vmem>>, vector<16xi32>,
      %swap3A_147 = arith.constant 96 : index
      %swap3A_148 = tpu.vector_load %arg11[%swap3A_147] {strides = array<i32>} : memref<112xi32, #tpu.memory_space<vmem>>, vector<16xi32>,
      tpu.vector_store %arg11[%swap3A_147], %scan3A_133#7 {strides = array<i32>} : memref<112xi32, #tpu.memory_space<vmem>>, vector<16xi32>,
      %eq3A_149 = arith.constant 0 : i32
      %eq3A_150 = arith.cmpi eq, %arg1, %eq3A_149 : i32
      %convert_element_type3A_151 = arith.extui %eq3A_150 : i1 to i32
      %cond3A_152 = arith.constant 0 : i32
      %cond3A_153 = arith.cmpi ne, %convert_element_type3A_151, %cond3A_152 : i32
      scf.if %cond3A_153 {
        "tpu.region"() ({
          %run_scoped3A = tpu.sem_alloc : memref<!tpu.dma_semaphore, #tpu.memory_space<semaphore_mem>>
          tpu.enqueue_dma source(%arg11 : memref<112xi32, #tpu.memory_space<vmem>>) target(%arg5 : memref<112xi32, #tpu.memory_space<hbm>>) target_semaphore(%run_scoped3A : memref<!tpu.dma_semaphore, #tpu.memory_space<semaphore_mem>>)
          tpu.wait_dma2 semaphore(%run_scoped3A : memref<!tpu.dma_semaphore, #tpu.memory_space<semaphore_mem>>) src(%arg11 : memref<112xi32, #tpu.memory_space<vmem>>) dst(%arg5 : memref<112xi32, #tpu.memory_space<hbm>>)
          tpu.yield
        }) : () -> ()
      } else {
      }
      %lt3A = arith.constant 12 : i32
      %lt3A_154 = arith.cmpi slt, %arg1, %lt3A : i32
      %convert_element_type3A_155 = arith.extui %lt3A_154 : i1 to i32
      %cond3A_156 = arith.constant 0 : i32
      %cond3A_157 = arith.cmpi ne, %convert_element_type3A_155, %cond3A_156 : i32
      scf.if %cond3A_157 {
        %mul3A_163 = arith.constant 8 : i32
        %mul3A_164 = arith.muli %arg1, %mul3A_163 : i32
        %dma_start3A = tpu.memref_slice %arg11[%mul3A_164] : memref<112xi32, #tpu.memory_space<vmem>> -> memref<8xi32, #tpu.memory_space<vmem>>
        %dma_start3A_165 = arith.constant 0 : i32
        %dma_start3A_166 = arith.constant 0 : i32
        %dma_start3A_167 = tpu.memref_slice %arg3[%dma_start3A_165, %dma_start3A_166] : memref<4096x1024xf32, #tpu.memory_space<hbm>> -> memref<4096x1024xf32, #tpu.memory_space<hbm>>
        tpu.enqueue_indirect_dma source(%dma_start3A_167 : memref<4096x1024xf32, #tpu.memory_space<hbm>>) target(%arg12 : memref<8x1024xf32, #tpu.memory_space<vmem>>) offsets(%dma_start3A : memref<8xi32, #tpu.memory_space<vmem>>) semaphore(%arg15 : memref<!tpu.dma_semaphore, #tpu.memory_space<semaphore_mem>>)
        %dma_wait3A = tpu.memref_slice %arg11[%mul3A_164] : memref<112xi32, #tpu.memory_space<vmem>> -> memref<8xi32, #tpu.memory_space<vmem>>
        %dma_wait3A_168 = arith.constant 0 : i32
        %dma_wait3A_169 = arith.constant 0 : i32
        %dma_wait3A_170 = tpu.memref_slice %arg3[%dma_wait3A_168, %dma_wait3A_169] : memref<4096x1024xf32, #tpu.memory_space<hbm>> -> memref<4096x1024xf32, #tpu.memory_space<hbm>>
        tpu.wait_indirect_dma semaphore(%arg15 : memref<!tpu.dma_semaphore, #tpu.memory_space<semaphore_mem>>) src(%dma_wait3A_170 : memref<4096x1024xf32, #tpu.memory_space<hbm>>) dst(%arg12 : memref<8x1024xf32, #tpu.memory_space<vmem>>)
        %mul3A_171 = arith.constant 8 : i32
        %mul3A_172 = arith.muli %arg1, %mul3A_171 : i32
        "tpu.region"() ({
          %run_scoped3A = tpu.sem_alloc : memref<!tpu.dma_semaphore, #tpu.memory_space<semaphore_mem>>
          %dma_start3A_173 = arith.constant 0 : i32
          %dma_start3A_174 = tpu.memref_slice %arg4[%mul3A_172, %dma_start3A_173] : memref<100x1024xf32, #tpu.memory_space<hbm>> -> memref<8x1024xf32, #tpu.memory_space<hbm>>
          %dma_start3A_175 = arith.constant 0 : i32
          %dma_start3A_176 = tpu.memref_slice %arg4[%mul3A_172, %dma_start3A_175] : memref<100x1024xf32, #tpu.memory_space<hbm>> -> memref<8x1024xf32, #tpu.memory_space<hbm>>
          tpu.enqueue_dma source(%arg12 : memref<8x1024xf32, #tpu.memory_space<vmem>>) target(%dma_start3A_176 : memref<8x1024xf32, #tpu.memory_space<hbm>>) target_semaphore(%run_scoped3A : memref<!tpu.dma_semaphore, #tpu.memory_space<semaphore_mem>>)
          %dma_wait3A_177 = arith.constant 0 : i32
          %dma_wait3A_178 = tpu.memref_slice %arg4[%mul3A_172, %dma_wait3A_177] : memref<100x1024xf32, #tpu.memory_space<hbm>> -> memref<8x1024xf32, #tpu.memory_space<hbm>>
          %dma_wait3A_179 = arith.constant 0 : i32
          %dma_wait3A_180 = tpu.memref_slice %arg4[%mul3A_172, %dma_wait3A_179] : memref<100x1024xf32, #tpu.memory_space<hbm>> -> memref<8x1024xf32, #tpu.memory_space<hbm>>
          tpu.wait_dma2 semaphore(%run_scoped3A : memref<!tpu.dma_semaphore, #tpu.memory_space<semaphore_mem>>) src(%arg12 : memref<8x1024xf32, #tpu.memory_space<vmem>>) dst(%dma_wait3A_180 : memref<8x1024xf32, #tpu.memory_space<hbm>>)
          tpu.yield
        }) : () -> ()
      } else {
      }
      %eq3A_158 = arith.constant 12 : i32
      %eq3A_159 = arith.cmpi eq, %arg1, %eq3A_158 : i32
      %convert_element_type3A_160 = arith.extui %eq3A_159 : i1 to i32
      %cond3A_161 = arith.constant 0 : i32
      %cond3A_162 = arith.cmpi ne, %convert_element_type3A_160, %cond3A_161 : i32
      scf.if %cond3A_162 {
        %dma_start3A = arith.constant 96 : i32
        %dma_start3A_163 = tpu.memref_slice %arg11[%dma_start3A] : memref<112xi32, #tpu.memory_space<vmem>> -> memref<8xi32, #tpu.memory_space<vmem>>
        %dma_start3A_164 = arith.constant 0 : i32
        %dma_start3A_165 = arith.constant 0 : i32
        %dma_start3A_166 = tpu.memref_slice %arg3[%dma_start3A_164, %dma_start3A_165] : memref<4096x1024xf32, #tpu.memory_space<hbm>> -> memref<4096x1024xf32, #tpu.memory_space<hbm>>
        tpu.enqueue_indirect_dma source(%dma_start3A_166 : memref<4096x1024xf32, #tpu.memory_space<hbm>>) target(%arg12 : memref<8x1024xf32, #tpu.memory_space<vmem>>) offsets(%dma_start3A_163 : memref<8xi32, #tpu.memory_space<vmem>>) semaphore(%arg15 : memref<!tpu.dma_semaphore, #tpu.memory_space<semaphore_mem>>)
        %dma_wait3A = arith.constant 96 : i32
        %dma_wait3A_167 = tpu.memref_slice %arg11[%dma_wait3A] : memref<112xi32, #tpu.memory_space<vmem>> -> memref<8xi32, #tpu.memory_space<vmem>>
        %dma_wait3A_168 = arith.constant 0 : i32
        %dma_wait3A_169 = arith.constant 0 : i32
        %dma_wait3A_170 = tpu.memref_slice %arg3[%dma_wait3A_168, %dma_wait3A_169] : memref<4096x1024xf32, #tpu.memory_space<hbm>> -> memref<4096x1024xf32, #tpu.memory_space<hbm>>
        tpu.wait_indirect_dma semaphore(%arg15 : memref<!tpu.dma_semaphore, #tpu.memory_space<semaphore_mem>>) src(%dma_wait3A_170 : memref<4096x1024xf32, #tpu.memory_space<hbm>>) dst(%arg12 : memref<8x1024xf32, #tpu.memory_space<vmem>>)
        "tpu.region"() ({
          %run_scoped3A = tpu.sem_alloc : memref<!tpu.dma_semaphore, #tpu.memory_space<semaphore_mem>>
          %dma_start3A_171 = arith.constant 0 : i32
          %dma_start3A_172 = arith.constant 0 : i32
          %dma_start3A_173 = tpu.memref_slice %arg12[%dma_start3A_171, %dma_start3A_172] : memref<8x1024xf32, #tpu.memory_space<vmem>> -> memref<4x1024xf32, #tpu.memory_space<vmem>>
          %dma_start3A_174 = arith.constant 96 : i32
          %dma_start3A_175 = arith.constant 0 : i32
          %dma_start3A_176 = tpu.memref_slice %arg4[%dma_start3A_174, %dma_start3A_175] : memref<100x1024xf32, #tpu.memory_space<hbm>> -> memref<4x1024xf32, #tpu.memory_space<hbm>>
          %dma_start3A_177 = arith.constant 96 : i32
          %dma_start3A_178 = arith.constant 0 : i32
          %dma_start3A_179 = tpu.memref_slice %arg4[%dma_start3A_177, %dma_start3A_178] : memref<100x1024xf32, #tpu.memory_space<hbm>> -> memref<4x1024xf32, #tpu.memory_space<hbm>>
          %dma_start3A_180 = arith.constant 0 : i32
          %dma_start3A_181 = arith.constant 0 : i32
          %dma_start3A_182 = tpu.memref_slice %arg12[%dma_start3A_180, %dma_start3A_181] : memref<8x1024xf32, #tpu.memory_space<vmem>> -> memref<4x1024xf32, #tpu.memory_space<vmem>>
          tpu.enqueue_dma source(%dma_start3A_182 : memref<4x1024xf32, #tpu.memory_space<vmem>>) target(%dma_start3A_179 : memref<4x1024xf32, #tpu.memory_space<hbm>>) target_semaphore(%run_scoped3A : memref<!tpu.dma_semaphore, #tpu.memory_space<semaphore_mem>>)
          %dma_wait3A_183 = arith.constant 0 : i32
          %dma_wait3A_184 = arith.constant 0 : i32
          %dma_wait3A_185 = tpu.memref_slice %arg12[%dma_wait3A_183, %dma_wait3A_184] : memref<8x1024xf32, #tpu.memory_space<vmem>> -> memref<4x1024xf32, #tpu.memory_space<vmem>>
          %dma_wait3A_186 = arith.constant 96 : i32
          %dma_wait3A_187 = arith.constant 0 : i32
          %dma_wait3A_188 = tpu.memref_slice %arg4[%dma_wait3A_186, %dma_wait3A_187] : memref<100x1024xf32, #tpu.memory_space<hbm>> -> memref<4x1024xf32, #tpu.memory_space<hbm>>
          %dma_wait3A_189 = arith.constant 96 : i32
          %dma_wait3A_190 = arith.constant 0 : i32
          %dma_wait3A_191 = tpu.memref_slice %arg4[%dma_wait3A_189, %dma_wait3A_190] : memref<100x1024xf32, #tpu.memory_space<hbm>> -> memref<4x1024xf32, #tpu.memory_space<hbm>>
          %dma_wait3A_192 = arith.constant 0 : i32
          %dma_wait3A_193 = arith.constant 0 : i32
          %dma_wait3A_194 = tpu.memref_slice %arg12[%dma_wait3A_192, %dma_wait3A_193] : memref<8x1024xf32, #tpu.memory_space<vmem>> -> memref<4x1024xf32, #tpu.memory_space<vmem>>
          tpu.wait_dma2 semaphore(%run_scoped3A : memref<!tpu.dma_semaphore, #tpu.memory_space<semaphore_mem>>) src(%dma_wait3A_194 : memref<4x1024xf32, #tpu.memory_space<vmem>>) dst(%dma_wait3A_191 : memref<4x1024xf32, #tpu.memory_space<hbm>>)
          tpu.yield
        }) : () -> ()
      } else {
      }
    } else {
    }
    return
  }
}

module attributes {stable_mosaic.version = 14 : i64} {
  func.func @_mean_sim_body(%arg0: i32, %arg1: i32, %arg2: memref<256x1024xf32, #tpu.memory_space<vmem>>, %arg3: memref<256xf32, #tpu.memory_space<vmem>>, %arg4: memref<4096x1024xbf16, #tpu.memory_space<vmem>>, %arg5: memref<4096xf32, #tpu.memory_space<vmem>>, %arg6: memref<1x1024xf32, #tpu.memory_space<vmem>>) attributes {dimension_semantics = [#tpu.dimension_semantics<arbitrary>, #tpu.dimension_semantics<arbitrary>], iteration_bounds = array<i64: 2, 16>, scalar_prefetch = 0 : i64, scratch_operands = 3 : i64, tpu.core_type = #tpu.core_type<tc>, window_params = [{transform_indices = @transform_0, window_bounds = array<i64: 256, 1024>}, {transform_indices = @transform_1, window_bounds = array<i64: 256>}]} {
    %eq3A = arith.constant 0 : i32
    %eq3A_0 = arith.cmpi eq, %arg0, %eq3A : i32
    %convert_element_type3A = arith.extui %eq3A_0 : i1 to i32
    %cond3A = arith.constant 0 : i32
    %cond3A_1 = arith.cmpi ne, %convert_element_type3A, %cond3A : i32
    scf.if %cond3A_1 {
      %get3A = arith.constant 0 : index
      %get3A_7 = arith.constant 0 : index
      %get3A_8 = vector.load %arg2[%get3A, %get3A_7] : memref<256x1024xf32, #tpu.memory_space<vmem>>, vector<256x1024xf32>
      %convert_element_type3A_9 = arith.truncf %get3A_8 : vector<256x1024xf32> to vector<256x1024xbf16>
      %mul3A = arith.constant 256 : i32
      %mul3A_10 = arith.muli %arg1, %mul3A : i32
      %swap3A = arith.index_cast %mul3A_10 : i32 to index
      %swap3A_11 = arith.constant 0 : index
      %swap3A_12 = vector.load %arg4[%swap3A, %swap3A_11] : memref<4096x1024xbf16, #tpu.memory_space<vmem>>, vector<256x1024xbf16>
      tpu.vector_store %arg4[%swap3A, %swap3A_11], %convert_element_type3A_9 {strides = array<i32>} : memref<4096x1024xbf16, #tpu.memory_space<vmem>>, vector<256x1024xbf16>,
      %mul3A_13 = arith.mulf %get3A_8, %get3A_8 : vector<256x1024xf32>
      %reduce_sum3A = arith.constant dense<0.000000e+00> : vector<256xf32>
      %reduce_sum3A_14 = vector.multi_reduction <add>, %mul3A_13, %reduce_sum3A [1] : vector<256x1024xf32> to vector<256xf32>
      %sqrt3A = math.sqrt %reduce_sum3A_14 : vector<256xf32>
      %div3A = arith.constant 1.000000e+00 : f32
      %div3A_15 = vector.broadcast %div3A : f32 to vector<256xf32>
      %div3A_16 = arith.divf %div3A_15, %sqrt3A : vector<256xf32>
      %mul3A_17 = arith.constant 256 : i32
      %mul3A_18 = arith.muli %arg1, %mul3A_17 : i32
      %swap3A_19 = arith.index_cast %mul3A_18 : i32 to index
      %swap3A_20 = vector.load %arg5[%swap3A_19] : memref<4096xf32, #tpu.memory_space<vmem>>, vector<256xf32>
      tpu.vector_store %arg5[%swap3A_19], %div3A_16 {strides = array<i32>} : memref<4096xf32, #tpu.memory_space<vmem>>, vector<256xf32>,
      %broadcast_in_dim3A = vector.shape_cast %div3A_16 : vector<256xf32> to vector<256x1xf32>
      %convert_element_type3A_21 = arith.extf %convert_element_type3A_9 : vector<256x1024xbf16> to vector<256x1024xf32>
      %mul3A_22 = vector.broadcast %broadcast_in_dim3A : vector<256x1xf32> to vector<256x1024xf32>
      %mul3A_23 = arith.mulf %mul3A_22, %convert_element_type3A_21 : vector<256x1024xf32>
      %reduce_sum3A_24 = arith.constant dense<0.000000e+00> : vector<1024xf32>
      %reduce_sum3A_25 = vector.multi_reduction <add>, %mul3A_23, %reduce_sum3A_24 [0] : vector<256x1024xf32> to vector<1024xf32>
      %broadcast_in_dim3A_26 = vector.shape_cast %reduce_sum3A_25 : vector<1024xf32> to vector<1x1024xf32>
      %eq3A_27 = arith.constant 0 : i32
      %eq3A_28 = arith.cmpi eq, %arg1, %eq3A_27 : i32
      %convert_element_type3A_29 = arith.extui %eq3A_28 : i1 to i32
      %cond3A_30 = arith.constant 0 : i32
      %cond3A_31 = arith.cmpi ne, %convert_element_type3A_29, %cond3A_30 : i32
      scf.if %cond3A_31 {
        %swap3A_36 = arith.constant 0 : index
        %swap3A_37 = arith.constant 0 : index
        %swap3A_38 = vector.load %arg6[%swap3A_36, %swap3A_37] : memref<1x1024xf32, #tpu.memory_space<vmem>>, vector<1x1024xf32>
        tpu.vector_store %arg6[%swap3A_36, %swap3A_37], %broadcast_in_dim3A_26 {strides = array<i32>} : memref<1x1024xf32, #tpu.memory_space<vmem>>, vector<1x1024xf32>,
      } else {
      }
      %gt3A = arith.constant 0 : i32
      %gt3A_32 = arith.cmpi sgt, %arg1, %gt3A : i32
      %convert_element_type3A_33 = arith.extui %gt3A_32 : i1 to i32
      %cond3A_34 = arith.constant 0 : i32
      %cond3A_35 = arith.cmpi ne, %convert_element_type3A_33, %cond3A_34 : i32
      scf.if %cond3A_35 {
        %get3A_36 = arith.constant 0 : index
        %get3A_37 = arith.constant 0 : index
        %get3A_38 = vector.load %arg6[%get3A_36, %get3A_37] : memref<1x1024xf32, #tpu.memory_space<vmem>>, vector<1x1024xf32>
        %add3A = arith.addf %get3A_38, %broadcast_in_dim3A_26 : vector<1x1024xf32>
        %swap3A_39 = arith.constant 0 : index
        %swap3A_40 = arith.constant 0 : index
        %swap3A_41 = vector.load %arg6[%swap3A_39, %swap3A_40] : memref<1x1024xf32, #tpu.memory_space<vmem>>, vector<1x1024xf32>
        tpu.vector_store %arg6[%swap3A_39, %swap3A_40], %add3A {strides = array<i32>} : memref<1x1024xf32, #tpu.memory_space<vmem>>, vector<1x1024xf32>,
      } else {
      }
    } else {
    }
    %eq3A_2 = arith.constant 1 : i32
    %eq3A_3 = arith.cmpi eq, %arg0, %eq3A_2 : i32
    %convert_element_type3A_4 = arith.extui %eq3A_3 : i1 to i32
    %cond3A_5 = arith.constant 0 : i32
    %cond3A_6 = arith.cmpi ne, %convert_element_type3A_4, %cond3A_5 : i32
    scf.if %cond3A_6 {
      %mul3A = arith.constant 256 : i32
      %mul3A_7 = arith.muli %arg1, %mul3A : i32
      %get3A = arith.index_cast %mul3A_7 : i32 to index
      %get3A_8 = arith.constant 0 : index
      %get3A_9 = vector.load %arg4[%get3A, %get3A_8] : memref<4096x1024xbf16, #tpu.memory_space<vmem>>, vector<256x1024xbf16>
      %convert_element_type3A_10 = arith.extf %get3A_9 : vector<256x1024xbf16> to vector<256x1024xf32>
      %get3A_11 = arith.constant 0 : index
      %get3A_12 = arith.constant 0 : index
      %get3A_13 = vector.load %arg6[%get3A_11, %get3A_12] : memref<1x1024xf32, #tpu.memory_space<vmem>>, vector<1x1024xf32>
      %mul3A_14 = vector.broadcast %get3A_13 : vector<1x1024xf32> to vector<256x1024xf32>
      %mul3A_15 = arith.mulf %convert_element_type3A_10, %mul3A_14 : vector<256x1024xf32>
      %reduce_sum3A = arith.constant dense<0.000000e+00> : vector<256xf32>
      %reduce_sum3A_16 = vector.multi_reduction <add>, %mul3A_15, %reduce_sum3A [1] : vector<256x1024xf32> to vector<256xf32>
      %mul3A_17 = arith.constant 256 : i32
      %mul3A_18 = arith.muli %arg1, %mul3A_17 : i32
      %get3A_19 = arith.index_cast %mul3A_18 : i32 to index
      %get3A_20 = vector.load %arg5[%get3A_19] : memref<4096xf32, #tpu.memory_space<vmem>>, vector<256xf32>
      %mul3A_21 = arith.mulf %reduce_sum3A_16, %get3A_20 : vector<256xf32>
      %mul3A_22 = arith.constant 2.44140625E-4 : f32
      %mul3A_23 = vector.broadcast %mul3A_22 : f32 to vector<256xf32>
      %mul3A_24 = arith.mulf %mul3A_21, %mul3A_23 : vector<256xf32>
      %swap3A = arith.constant 0 : index
      %swap3A_25 = vector.load %arg3[%swap3A] : memref<256xf32, #tpu.memory_space<vmem>>, vector<256xf32>
      tpu.vector_store %arg3[%swap3A], %mul3A_24 {strides = array<i32>} : memref<256xf32, #tpu.memory_space<vmem>>, vector<256xf32>,
    } else {
    }
    return
  }
  func.func @transform_0(%arg0: i32, %arg1: i32) -> (i32, i32) {
    %eq3A = arith.constant 0 : i32
    %eq3A_0 = arith.cmpi eq, %arg0, %eq3A : i32
    %jit3A = arith.constant 15 : i32
    %select_n3A = arith.select %eq3A_0, %arg1, %jit3A : i32
    %c0_i32 = arith.constant 0 : i32
    %c0_i32_1 = arith.constant 0 : i32
    return %select_n3A, %c0_i32 : i32, i32
  }
  func.func @transform_1(%arg0: i32, %arg1: i32) -> i32 {
    %c0_i32 = arith.constant 0 : i32
    return %arg1 : i32
  }
}

</mosaic_0001>

<sc_bundles>
// kernel: kernel.4.cloned.1.call-start
scs
__scs_entry_jumppad:
0x0: {  	(pc) =	sbr.rel $0x88, $3  }
0x1: {  	(tag) =	ssettag $0x0;
	lr =	simm.s32 $0x1  }
0x2: {  	[smem:$0x3FA0] =	sst lr;
	_ =	strace $0xD0000000  }
0x3: {  	_ = 	snop  }
0x4: {  	_ = 	snop  }
0x5: {  	_ = 	snop  }
0x6: {  	_ = 	snop  }
0x7: {  	_ = 	snop  }
__scs_overlays_trampoline_lowered:
0x8: {  	[smem:$0x3FAF] =	sst s0  }
0x9: {  	[smem:$0x3FB0] =	sst s1  }
0xa: {  	[smem:$0x3FB1] =	sst s2  }
0xb: {  	[smem:$0x3FB2] =	sst s3  }
0xc: {  	[smem:$0x3FB3] =	sst s4  }
0xd: {  	[smem:$0x3FB4] =	sst s5  }
0xe: {  	[smem:$0x3FB5] =	sst s6  }
0xf: {  	[smem:$0x3FB6] =	sst s7  }
0x10: {  	[smem:$0x3FB7] =	sst s8  }
0x11: {  	[smem:$0x3FB8] =	sst s9;
	s0 =	simm.s32 @!p0 $0x0  }
0x12: {  	s1 =	sld [smem:$0x3F9E];
	s0 =	simm.s32 @p0 $0x1  }
0x13: {  	[smem:$0x3FB9] =	sst s0;
	s0 =	simm.s32 @!p1 $0x0  }
0x14: {  	s2 =	sld [smem:$0x3F9D];
	s0 =	simm.s32 @p1 $0x1  }
0x15: {  	[smem:$0x3FBA] =	sst s0;
	s0 =	simm.s32 @!p2 $0x0  }
0x16: {  	s3 =	sld [smem:$0x3FDB];
	s0 =	simm.s32 @p2 $0x1  }
0x17: {  	s4 =	simm.s32 $0x1BF5;
	[smem:$0x3FBC] =	sst s0  }
0x18: {  	s0 =	sld [smem:$0x3F9F];
	_ =	swait.ge [sflag:s4], $0x0  }
0x19: {  	s7 =	sld [smem:$0x3FA0]  }
0x1a: {  	s8 =	sadd.s32 $0xFFFFE003, lr  }
0x1b: {  	s9 =	sadd.s32 $0xFFFFFEF7, lr;
	s5 =	simm.s32 $0xFFFFFFFF;
	p2 =	slt.u32 s8, $0xFFFFF086  }
0x1c: {  	p1 =	slt.u32 s9, $0xF7A;
	s5 =	simm.s32 @!p2 $0x0  }
0x1d: {  	s5 =	simm.s32 @p1 $0x1;
	p0 =	seq.s32 s7, s2  }
0x1e: {  	s7 =	smul.u32 @!p0 $0xF7A, s2;
	p2 =	seq.s32 @!p0 s5, $0x0  }
0x1f: {  	s9 =	smul.u32 $0xF7A, s1;
	s8 =	simm.s32 @!p0 $0x1BF5;
	p2 =	por !p2, p0  }
0x20: {  	[sflag:s8] =	ssyncset.s32 @!p0 $0xFFFFF086;
	s6 =	sadd.s32 @!p0 s3, s7;
	s7 =	simm.s32 @!p0 $0x108  }
0x21: {  	s3 =	sadd.s32 s3, s9;
	s6 =	sadd.s32 @!p0 $0x88, s6;
	s7 =	simm.s32 @p2 $0x1082  }
0x22: {  	[simem:s7], [sflag:s8] =	dma.local @!p0 [hbm:s6], $0xF7A  }
0x23: {  	s9 =	sor.u32 $0xD0000000, s2;
	s6 =	simm.s32 $0x108;
	_ =	swait.ge @!p0 [sflag:s8], $0x0  }
0x24: {  	s3 =	sadd.s32 $0x88, s3;
	s6 =	simm.s32 @!p1 $0x1082;
	[sflag:s4] =	ssyncset.s32 $0xFFFFF086  }
0x25: {  	[simem:s6], [sflag:s4] =	dma.local [hbm:s3], $0xF7A  }
0x26: {  	[smem:$0x3FA0] =	sst s1;
	(tag) =	ssettag s2;
	_ =	strace s9  }
0x27: {  	s1 =	sld [smem:$0x3FB0]  }
0x28: {  	s2 =	sld [smem:$0x3FB1]  }
0x29: {  	s4 =	sld [smem:$0x3FB3]  }
0x2a: {  	p0 =	seq.s32 s5, $0x0;
	s5 =	sld [smem:$0x3FB4]  }
0x2b: {  	s6 =	sld [smem:$0x3FB5]  }
0x2c: {  	s7 =	sld [smem:$0x3FB6]  }
0x2d: {  	s3 =	simm.s32 $0x108;
	s8 =	sld [smem:$0x3FB7]  }
0x2e: {  	s3 =	simm.s32 @!p0 $0x1082;
	s9 =	sld [smem:$0x3FB8]  }
0x2f: {  	lr =	sadd.s32 s0, s3;
	s0 =	sld [smem:$0x3FAF]  }
0x30: {  	s3 =	sld [smem:$0x3FB2]  }
0x31: {  	[smem:$0x3FBB] =	sst s10  }
0x32: {  	s10 =	sld [smem:$0x3FB9];
	_ =	sdelay $0x3  }
0x33: {  	p0 =	seq.s32 s10, $0x1;
	s10 =	sld [smem:$0x3FBB];
	_ =	sdelay $0x3  }
0x34: {  	[smem:$0x3FBB] =	sst s10  }
0x35: {  	s10 =	sld [smem:$0x3FBA];
	_ =	sdelay $0x3  }
0x36: {  	p1 =	seq.s32 s10, $0x1;
	s10 =	sld [smem:$0x3FBB];
	_ =	sdelay $0x3  }
0x37: {  	[smem:$0x3FBB] =	sst s10  }
0x38: {  	s10 =	sld [smem:$0x3FBC]  }
0x39: {  	_ = 	snop;
	(pc) =	sbr.ind lr, $3  }
0x3a: {  	_ = 	snop  }
0x3b: {  	_ = 	snop  }
0x3c: {  	p2 =	seq.s32 s10, $0x1;
	s10 =	sld [smem:$0x3FBB]  }
0x3d: {  	_ =	shalt  }
0x3e: {  	_ =	shalt  }
0x3f: {  	_ =	shalt  }
0x40: {  	_ =	shalt  }
0x41: {  	_ =	shalt  }
0x42: {  	_ =	shalt  }
0x43: {  	_ =	shalt  }
0x44: {  	_ =	shalt  }
0x45: {  	_ =	shalt  }
0x46: {  	_ =	shalt  }
0x47: {  	_ =	shalt  }
0x48: {  	_ =	shalt  }
0x49: {  	_ =	shalt  }
0x4a: {  	_ =	shalt  }
0x4b: {  	_ =	shalt  }
0x4c: {  	_ =	shalt  }
0x4d: {  	_ =	shalt  }
0x4e: {  	_ =	shalt  }
0x4f: {  	_ =	shalt  }
0x50: {  	_ =	shalt  }
0x51: {  	_ =	shalt  }
0x52: {  	_ =	shalt  }
0x53: {  	_ =	shalt  }
0x54: {  	_ =	shalt  }
0x55: {  	_ =	shalt  }
0x56: {  	_ =	shalt  }
0x57: {  	_ =	shalt  }
0x58: {  	_ =	shalt  }
0x59: {  	_ =	shalt  }
0x5a: {  	_ =	shalt  }
0x5b: {  	_ =	shalt  }
0x5c: {  	_ =	shalt  }
0x5d: {  	_ =	shalt  }
0x5e: {  	_ =	shalt  }
0x5f: {  	_ =	shalt  }
0x60: {  	_ =	shalt  }
0x61: {  	_ =	shalt  }
0x62: {  	_ =	shalt  }
0x63: {  	_ =	shalt  }
0x64: {  	_ =	shalt  }
0x65: {  	_ =	shalt  }
0x66: {  	_ =	shalt  }
0x67: {  	_ =	shalt  }
0x68: {  	_ =	shalt  }
0x69: {  	_ =	shalt  }
0x6a: {  	_ =	shalt  }
0x6b: {  	_ =	shalt  }
0x6c: {  	_ =	shalt  }
0x6d: {  	_ =	shalt  }
0x6e: {  	_ =	shalt  }
0x6f: {  	_ =	shalt  }
0x70: {  	_ =	shalt  }
0x71: {  	_ =	shalt  }
0x72: {  	_ =	shalt  }
0x73: {  	_ =	shalt  }
0x74: {  	_ =	shalt  }
0x75: {  	_ =	shalt  }
0x76: {  	_ =	shalt  }
0x77: {  	_ =	shalt  }
0x78: {  	_ =	shalt  }
0x79: {  	_ =	shalt  }
0x7a: {  	_ =	shalt  }
0x7b: {  	_ =	shalt  }
0x7c: {  	_ =	shalt  }
0x7d: {  	_ =	shalt  }
0x7e: {  	_ =	shalt  }
0x7f: {  	_ =	shalt  }
0x80: {  	_ =	shalt  }
0x81: {  	_ =	shalt  }
0x82: {  	_ =	shalt  }
0x83: {  	_ =	shalt  }
0x84: {  	_ =	shalt  }
0x85: {  	_ =	shalt  }
0x86: {  	_ =	shalt  }
0x87: {  	_ =	shalt  }
.Lfunc_end0:
.L_simem_size_0:
called_computation_lowered:
.L_overlay_start_0:
0x88: {  	s2 =	sld [smem:$0x3FD9]  }
0x89: {  	s3 =	sld [smem:$0x3FFE];
	_ =	sdelay $0x1  }
0x8a: {  	s1 =	srdreg.scid  }
0x8b: {  	s0 =	sand.u32 $0x1, s1  }
0x8c: {  	s14 =	sshll.u32 s0, $0xA;
	s2 =	sadd.s32 s3, s2  }
0x8d: {  	s2 =	sadd.s32 s2, s14  }
0x8e: {  	[smem:$0x3FC7] =	sst s2  }
0x8f: {  	_ = 	snop  }
0x90: {  	s2 =	sld [smem:$0x3FD0];
	_ =	sdelay $0x2  }
0x91: {  	s4 =	simm.s32 $0xA;
	s5 =	simm.s32 $0x10;
	s15 =	sld [smem:$0x3FC9]  }
0x92: {  	[smem:s5], [sflag:s4] =	dma.local [hbm:s2], $0x1  }
0x93: {  	_ =	swait.eq [sflag:s4], $0x1  }
0x94: {  	[sflag:s4] =	ssyncset.done $0x0  }
0x95: {  	s16 =	sld [smem:$0x10];
	[sflag:s4] =	ssyncadd.s32 $0xFFFFFFFF  }
0x96: {  	s17 =	sld [smem:$0x11];
	(tm) =	ssettm $0x1  }
0x97: {  	s18 =	sld [smem:$0x3FFB];
	_ =	sdelay $0x3  }
0x98: {  	_ =	strace s18  }
0x99: {  	s5 =	sld [smem:$0x3FFC];
	_ =	sdelay $0x3  }
0x9a: {  	_ =	strace s5  }
0x9b: {  	s5 =	sld [smem:$0x3FFD];
	_ =	sdelay $0x3  }
0x9c: {  	_ =	strace s5  }
0x9d: {  	_ =	strace $0x8FFFFFFF  }
0x9e: {  	s19 =	sld [smem:$0x3FDB];
	_ =	sdelay $0x1  }
0x9f: {  	s6 =	simm.s32 $_scs_section_size  }
0xa0: {  	s7 =	simm.s32 $_size__tile_overlayer_lowered;
	s8 =	simm.s32 $_tile_overlayer_lowered  }
0xa1: {  	s22 =	simm.s32 $0x1BFF;
	s21 =	sshll.u32 s8, $0x1;
	s5 =	sadd.s32 s6, s19  }
0xa2: {  	s9 =	simm.s32 $0x0;
	s20 =	sshll.u32 s7, $0x1;
	s7 =	sadd.s32 s21, s5  }
0xa3: {  	[timem:s9], [sflag:s22] =	dma.local [hbm:s7], s20  }
0xa4: {  	_ =	swait.ge [sflag:s22], s20  }
0xa5: {  	s6 =	ssub.s32 $0x0, s20;
	[sflag:s22] =	ssyncset.done $0x0  }
0xa6: {  	[sflag:s22] =	ssyncadd.s32 s6;
	_ =	sdelay $0x1  }
0xa7: {  	s23 =	simm.s32 $0x1B8B  }
0xa8: {  	_ =	swait.ge [sflag:s23], $0x1  }
0xa9: {  	[sflag:s23] =	ssyncset.done $0x0  }
0xaa: {  	s25 =	simm.s32 $0x1B8E;
	s24 =	sld [smem:$0x3FFE];
	[sflag:s23] =	ssyncadd.s32 $0xFFFFFFFF  }
0xab: {  	s26 =	simm.s32 $execute0_lowered;
	[smem:$0x3FD2] =	sst s25  }
0xac: {  	s7 =	sshll.u32 s26, $0x1;
	_ =	strace $0x80000046;
	[dreg:$0x1] =	wrdreg $0xFFFFFFFF  }
0xad: {  	s28 =	simm.s32 $_size_execute0_lowered;
	s5 =	sadd.s32 s5, s7;
	[dreg:$0x0] =	wrdreg $0x0  }
0xae: {  	s7 =	sshll.u32 s28, $0x1;
	[dreg:$0x2] =	wrdreg s5  }
0xaf: {  	[dreg:$0x3] =	wrdreg s7  }
0xb0: {  	[dreg:$0x4] =	wrdreg $0xC0  }
0xb1: {  	_ =	task [dreg:s9], $0x5FFFF  }
0xb2: {  	[dreg:$0x1] =	wrdreg $0xFFFFFFFF  }
0xb3: {  	[dreg:$0x0] =	wrdreg $0x60  }
0xb4: {  	[dreg:$0x2] =	wrdreg s24  }
0xb5: {  	[dreg:$0x3] =	wrdreg s15  }
0xb6: {  	[dreg:$0x4] =	wrdreg s16  }
0xb7: {  	[dreg:$0x5] =	wrdreg s17  }
0xb8: {  	[dreg:$0x6] =	wrdreg $0x28800  }
0xb9: {  	[dreg:$0x7] =	wrdreg $0x28B00  }
0xba: {  	[dreg:$0x8] =	wrdreg $0x9  }
0xbb: {  	_ =	task.clear_ibuf [dreg:s9], $0x9FFFF;
	_ =	strace $0x90000046  }
0xbc: {  	s29 =	simm.s32 $0x9;
	_ =	strace $0x80000048  }
0xbd: {  	_ =	swait.ge [sflag:s29], $0x1  }
0xbe: {  	[sflag:s29] =	ssyncadd.s32 $0xFFFFFFFF  }
0xbf: {  	_ =	strace $0x90000048  }
0xc0: {  	_ =	sfence  }
0xc1: {  	s30 =	sld [smem:$0x0];
	_ =	sdelay $0x2  }
0xc2: {  	s31 =	sshll.u32 s1, $0xD;
	s1 =	sshrl.u32 s1, $0x2  }
0xc3: {  	s3 =	sand.u32 $0x4000, s31;
	s1 =	sadd.s32 s1, s30  }
0xc4: {  	s0 =	sor.u32 s3, s0;
	s1 =	sshll.u32 s1, $0x11  }
0xc5: {  	s0 =	sor.u32 s1, s0  }
0xc6: {  	s0 =	sadd.s32 $0x8F2B, s0  }
0xc7: {  	[sflag:s0] =	ssyncadd.remote.s32 $0x1  }
0xc8: {  	_ =	sfence.sel $0xFFFF  }
0xc9: {  	[dreg:$0x0] =	wrdreg $0xFFFFFFFF;
	(pc) =	sbr.abs _section_cstart, $3  }
0xca: {  	[dreg:$0x1] =	wrdreg $0xFFFFFFFF  }
0xcb: {  	_ =	task.clear_ibuf [dreg:s9], $0x2FFFF;
	_ =	strace $0x9FFFFFFF  }
0xcc: {  	(tm) =	ssettm $0x7FFFFFFF  }
0xcd: {  	_ =	shalt  }
tec
execute0_lowered:
.L_overlay_start_1:
0x0: {  	(tag) =	ssettag $0x1  }
0x1: {  	s5 =	rddreg [dreg:$0x0];
	s1 =	srdreg.scid  }
0x2: {  	s2 =	rddreg [dreg:$0x1];
	s1 =	sand.u32 $0x1, s1  }
0x3: {  	s8 =	rddreg [dreg:$0x2];
	p0 =	seq.s32 s1, $0x1  }
.Ltmp0:
0x4: {  	s3 =	rddreg [dreg:$0x3];
	(pc) =	sbr.rel @p0 .LBB2_10-.Ltmp0, $4  }
0x5: {  	s11 =	rddreg [dreg:$0x4]  }
0x6: {  	s10 =	rddreg [dreg:$0x5];
	s4 =	simm.s32 $0x0  }
0x7: {  	[smem:$0x7FF] =	sst s4  }
0x8: {  	s0 =	rddreg [dreg:$0x6];
	_ =	strace $0x80000047;
	s1 =	stileid.u32  }
0x9: {  	s5 =	sadd.s32 $0xC00, s5;
	s7 =	sshll.u32 s1, $0x5  }
0xa: {  	s15 =	simm.s32 $0x2;
	s5 =	sadd.s32 s5, s7  }
0xb: {  	[tilespmem:s4], [sflag:$0x2] =	stream.linear.gather [hbm4b:s5+s4], $0x100, $0x38;
	[tilespmem:$0x28E0] =	vst v63  }
0xc: {  	_ =	swait.ge [sflag:s15], $0x100  }
0xd: {  	[sflag:s15] =	ssyncset.done $0x0  }
0xe: {  	[sflag:s15] =	ssyncadd.s32 $0xFFFFFF00  }
0xf: {  	v35 =	vld [tilespmem:$0x0]  }
0x10: {  	v36 =	vld [tilespmem:$0x10]  }
0x11: {  	v37 =	vld [tilespmem:$0x20]  }
0x12: {  	v16 =	vld [tilespmem:$0x30]  }
0x13: {  	v17 =	vld [tilespmem:$0x40]  }
0x14: {  	v12 =	vld [tilespmem:$0x50]  }
0x15: {  	v13 =	vld [tilespmem:$0x60];
	v0 =	vmin.f32 v35, v36  }
0x16: {  	v6 =	vld [tilespmem:$0x70];
	v0 =	vmin.f32 v0, v37  }
0x17: {  	v9 =	vld [tilespmem:$0x80];
	v0 =	vmin.f32 v0, v16  }
0x18: {  	v5 =	vld [tilespmem:$0x90];
	v0 =	vmin.f32 v0, v17  }
0x19: {  	v1 =	vimm.s32 $0xFEDCBA9;
	v2 =	vimm.s32 $0x87654321;
	v10 =	vld [tilespmem:$0xA0];
	v0 =	vmin.f32 v0, v12  }
0x1a: {  	v1 =	vunpack.c.l.s4.s8 v1;
	v2 =	vunpack.c.l.s4.s8 v2;
	v7 =	vld [tilespmem:$0xB0];
	v0 =	vmin.f32 v0, v13  }
0x1b: {  	v3 =	vimm.s32 $0x10FEDCBA;
	v4 =	vimm.s32 $0x98765432;
	v11 =	vld [tilespmem:$0xC0];
	v0 =	vmin.f32 v0, v6  }
0x1c: {  	v1 =	vunpack.c.0.s8.s32 v1;
	v2 =	vunpack.c.0.s8.s32 v2;
	v8 =	vld [tilespmem:$0xD0];
	v0 =	vmin.f32 v0, v9  }
0x1d: {  	v3 =	vunpack.c.l.s4.s8 v3;
	v4 =	vunpack.c.l.s4.s8 v4;
	v14 =	vld [tilespmem:$0xE0];
	v0 =	vmin.f32 v0, v5  }
0x1e: {  	v1 =	vcombine.low v2, v1;
	v15 =	vld [tilespmem:$0xF0];
	v0 =	vmin.f32 v0, v10  }
0x1f: {  	v2 =	vunpack.c.0.s8.s32 v3;
	v3 =	vunpack.c.0.s8.s32 v4;
	v4 =	vmin.f32 v0, v7  }
0x20: {  	v18 =	vimm.s32 $0xBA987654;
	v21 =	vimm.s32 $0xFEDCBA98;
	v4 =	vmin.f32 v4, v11  }
0x21: {  	v19 =	vunpack.c.l.s4.s8 v18;
	v2 =	vcombine.low v3, v2;
	v3 =	vmin.f32 v4, v8  }
0x22: {  	v21 =	vunpack.c.l.s4.s8 v21;
	v4 =	vimm.s32 $0x3210FEDC;
	v3 =	vmin.f32 v3, v14  }
0x23: {  	v1 =	vand.u32 $0xF, v1;
	v4 =	vunpack.c.l.s4.s8 v4;
	v3 =	vmin.f32 v3, v15  }
0x24: {  	v22 =	vimm.s32 $0x76543210;
	v20 =	vperm.xlane v3, v1  }
0x25: {  	v19 =	vunpack.c.0.s8.s32 v19;
	v21 =	vunpack.c.0.s8.s32 v21;
	v4 =	vunpack.c.0.s8.s32 v4  }
0x26: {  	s16 =	sshll.u32 s1, $0x8;
	v2 =	vand.u32 $0xF, v2;
	v0 =	vlaneseq.u32;
	v20 =	vmin.f32 v3, v20  }
0x27: {  	s6 =	sor.u32 $0x10, s16;
	s9 =	sor.u32 $0x20, s16;
	v3 =	vcombine.low v19, v4;
	v4 =	vunpack.c.l.s4.s8 v22;
	v19 =	vperm.xlane v20, v2  }
0x28: {  	v18 =	vor.u32 s16, v0;
	v26 =	vor.u32 s6, v0;
	v23 =	vor.u32 s9, v0  }
0x29: {  	s17 =	sor.u32 $0x30, s16;
	v3 =	vand.u32 $0xF, v3;
	v4 =	vunpack.c.0.s8.s32 v4;
	v19 =	vmin.f32 v20, v19  }
0x2a: {  	s18 =	sor.u32 $0x40, s16;
	s19 =	sor.u32 $0x50, s16;
	v28 =	vor.u32 s17, v0;
	v20 =	vand.u32 $0xF, v21;
	v21 =	vperm.xlane v19, v3  }
0x2b: {  	s20 =	sor.u32 $0x60, s16;
	s21 =	sor.u32 $0x70, s16;
	v33 =	vor.u32 s18, v0;
	v29 =	vor.u32 s19, v0;
	v4 =	vcombine.low v20, v4  }
0x2c: {  	s22 =	sor.u32 $0x80, s16;
	s23 =	sor.u32 $0x90, s16;
	v32 =	vor.u32 s20, v0;
	v27 =	vor.u32 s21, v0;
	v20 =	vmin.f32 v19, v21  }
0x2d: {  	s24 =	sor.u32 $0xA0, s16;
	s25 =	sor.u32 $0xB0, s16;
	s26 =	sor.u32 $0xD0, s16;
	v30 =	vor.u32 s22, v0;
	v24 =	vor.u32 s23, v0;
	v34 =	vperm.xlane v20, v4  }
0x2e: {  	s12 =	sor.u32 $0xC0, s16;
	s28 =	sor.u32 $0xE0, s16;
	v31 =	vor.u32 s24, v0;
	v25 =	vor.u32 s25, v0;
	v22 =	vor.u32 s26, v0  }
0x2f: {  	s5 =	sor.u32 $0xF0, s16;
	v21 =	vor.u32 s12, v0;
	v19 =	vor.u32 s28, v0;
	v40 =	vmin.f32 v20, v34  }
0x30: {  	v20 =	vor.u32 s5, v0;
	vm0 =	veq.f32 v35, v40;
	vm1 =	veq.f32 v36, v40  }
0x31: {  	v47 =	vnsel vm0, $0x40000000, v18;
	v38 =	vnsel vm1, $0x40000000, v26;
	vm0 =	veq.f32 v37, v40  }
0x32: {  	v34 =	vmin.u32 v47, v38;
	v48 =	vnsel vm0, $0x40000000, v23;
	vm0 =	veq.f32 v16, v40  }
0x33: {  	v34 =	vmin.u32 v34, v48;
	v49 =	vnsel vm0, $0x40000000, v28;
	vm0 =	veq.f32 v17, v40  }
0x34: {  	v34 =	vmin.u32 v34, v49;
	v50 =	vnsel vm0, $0x40000000, v33;
	vm0 =	veq.f32 v12, v40  }
0x35: {  	v34 =	vmin.u32 v34, v50;
	v51 =	vnsel vm0, $0x40000000, v29;
	vm0 =	veq.f32 v13, v40  }
0x36: {  	v34 =	vmin.u32 v34, v51;
	v52 =	vnsel vm0, $0x40000000, v32;
	vm0 =	veq.f32 v6, v40  }
0x37: {  	v34 =	vmin.u32 v34, v52;
	v53 =	vnsel vm0, $0x40000000, v27;
	vm0 =	veq.f32 v9, v40  }
0x38: {  	v34 =	vmin.u32 v34, v53;
	v54 =	vnsel vm0, $0x40000000, v30;
	vm0 =	veq.f32 v5, v40  }
0x39: {  	v34 =	vmin.u32 v34, v54;
	v55 =	vnsel vm0, $0x40000000, v24;
	vm0 =	veq.f32 v10, v40  }
0x3a: {  	v34 =	vmin.u32 v34, v55;
	v56 =	vnsel vm0, $0x40000000, v31;
	vm0 =	veq.f32 v7, v40  }
0x3b: {  	v34 =	vmin.u32 v34, v56;
	v57 =	vnsel vm0, $0x40000000, v25;
	vm0 =	veq.f32 v11, v40  }
0x3c: {  	v34 =	vmin.u32 v34, v57;
	v58 =	vnsel vm0, $0x40000000, v21;
	vm0 =	veq.f32 v8, v40  }
0x3d: {  	v34 =	vmin.u32 v34, v58;
	v59 =	vnsel vm0, $0x40000000, v22;
	vm0 =	veq.f32 v14, v40  }
0x3e: {  	v34 =	vmin.u32 v34, v59;
	v60 =	vnsel vm0, $0x40000000, v19;
	vm0 =	veq.f32 v15, v40  }
0x3f: {  	v34 =	vmin.u32 v34, v60;
	v61 =	vnsel vm0, $0x40000000, v20  }
0x40: {  	v34 =	vmin.u32 v34, v61  }
0x41: {  	v34 =	vadd.s32 $0x3F800000, v34  }
0x42: {  	v62 =	vperm.xlane v34, v1;
	_ =	sdelay $0x1  }
0x43: {  	v34 =	vmin.f32 v34, v62  }
0x44: {  	v38 =	vperm.xlane v34, v2;
	_ =	sdelay $0x1  }
0x45: {  	v34 =	vmin.f32 v34, v38  }
0x46: {  	v38 =	vperm.xlane v34, v3  }
0x47: {  	v42 =	vimm.f32 $+Inf;
	v43 =	vimm.s32 $0x40000000  }
0x48: {  	v44 =	vimm.f32 $0.0e+00;
	s29 =	sand.u32 $0xF, s4;
	vm0 =	vmxor vm0, vm0;
	v38 =	vmin.f32 v34, v38  }
0x49: {  	p0 =	por $0x1, $0x1;
	v63 =	vmov s29;
	vm1 =	vmmov vm0;
	v39 =	vperm.xlane v38, v4  }
0x4a: {  	p1 =	por $0x0, $0x0;
	vm3 =	veq.s32 v63, v0;
	vm4 =	vmmov vm0;
	vm1 =	vmneg @p0 vm1  }
0x4b: {  	vm4 =	vmneg @p1 vm4;
	vm2 =	vmand vm1, vm3;
	v38 =	vmin.f32 v38, v39  }
0x4c: {  	s30 =	smul.u32 $0x30, s1;
	vm1 =	vmand vm4, vm3;
	v34 =	vimm.s32 $0x0;
	v41 =	vadd.s32 $0xC0800000, v38  }
0x4d: {  	s14 =	sshll.u32 s1, $0xA;
	s31 =	sshrl.u32 s7, $0x2;
	s7 =	sadd.s32 $0x3000, s8;
	vm5 =	veq.s32 v18, v41;
	vm3 =	veq.s32 v26, v41;
	vm4 =	veq.s32 v33, v41  }
0x4e: {  	s8 =	sadd.s32 s8, s14;
	s14 =	simm.s32 $0x1;
	s13 =	sadd.s32 s30, s11;
	v38 =	vsel vm5, $0x7F800000, v35;
	v39 =	vsel vm3, $0x7F800000, v36;
	vm3 =	veq.s32 v23, v41  }
0x4f: {  	s4 =	sadd.s32 $0x300, s2;
	s15 =	simm.s32 $0x2;
	[tilespmem:$0x120] =	vst v42;
	s6 =	sadd.s32 $0x200, s2;
	v35 =	vsel vm2, v40, v44;
	v36 =	vsel vm1, v40, v44;
	v40 =	vsel vm3, $0x7F800000, v37  }
0x50: {  	[tilespmem:$0x1A0] =	vst v43;
	s9 =	sor.u32 $0x800, s31;
	s12 =	sadd.s32 s30, s10;
	s5 =	sadd.s32 $0x100, s2;
	v42 =	vmin.f32 v38, v39;
	vm3 =	veq.s32 v28, v41;
	v37 =	vimm.s32 $0x0  }
.LBB2_2:
0x51: {  	p0 =	sne.s32 s15, $0x1F;
	v42 =	vmin.f32 v42, v40;
	v16 =	vsel vm3, $0x7F800000, v16;
	v17 =	vsel vm4, $0x7F800000, v17  }
0x52: {  	vm3 =	veq.s32 v29, v41;
	vm4 =	veq.s32 v32, v41;
	v42 =	vmin.f32 v42, v16  }
0x53: {  	v12 =	vsel vm3, $0x7F800000, v12;
	v13 =	vsel vm4, $0x7F800000, v13;
	v42 =	vmin.f32 v42, v17  }
0x54: {  	vm3 =	veq.s32 v27, v41;
	vm4 =	veq.s32 v30, v41;
	v42 =	vmin.f32 v42, v12  }
0x55: {  	v6 =	vsel vm3, $0x7F800000, v6;
	v9 =	vsel vm4, $0x7F800000, v9;
	v42 =	vmin.f32 v42, v13  }
0x56: {  	vm3 =	veq.s32 v24, v41;
	vm4 =	veq.s32 v31, v41;
	v42 =	vmin.f32 v42, v6  }
0x57: {  	v5 =	vsel vm3, $0x7F800000, v5;
	v10 =	vsel vm4, $0x7F800000, v10;
	v42 =	vmin.f32 v42, v9  }
0x58: {  	vm3 =	veq.s32 v25, v41;
	vm4 =	veq.s32 v21, v41;
	v42 =	vmin.f32 v42, v5  }
0x59: {  	v7 =	vsel vm3, $0x7F800000, v7;
	v11 =	vsel vm4, $0x7F800000, v11;
	v42 =	vmin.f32 v42, v10  }
0x5a: {  	vm3 =	veq.s32 v22, v41;
	vm4 =	veq.s32 v19, v41;
	v42 =	vmin.f32 v42, v7  }
0x5b: {  	v8 =	vsel vm3, $0x7F800000, v8;
	v14 =	vsel vm4, $0x7F800000, v14;
	v42 =	vmin.f32 v42, v11  }
0x5c: {  	v34 =	vsel vm2, v41, v34;
	vm3 =	veq.s32 v20, v41;
	v42 =	vmin.f32 v42, v8  }
0x5d: {  	v37 =	vsel vm1, v41, v37;
	v15 =	vsel vm3, $0x7F800000, v15;
	v42 =	vmin.f32 v42, v14  }
0x5e: {  	v41 =	vmin.f32 v42, v15  }
0x5f: {  	v42 =	vperm.xlane v41, v1;
	_ =	sdelay $0x1  }
0x60: {  	v41 =	vmin.f32 v41, v42  }
0x61: {  	v42 =	vperm.xlane v41, v2;
	_ =	sdelay $0x1  }
0x62: {  	v41 =	vmin.f32 v41, v42  }
0x63: {  	v42 =	vperm.xlane v41, v3;
	_ =	sdelay $0x1  }
0x64: {  	s16 =	sand.u32 $0xF, s14;
	s17 =	sshrl.u32 s14, $0x4;
	s14 =	smov.u32 s15;
	vm2 =	vmmov vm0;
	v41 =	vmin.f32 v41, v42  }
0x65: {  	v43 =	vmov s16;
	p1 =	seq.s32 s17, $0x0;
	p2 =	seq.s32 s17, $0x1;
	vm3 =	vmmov vm0;
	v42 =	vperm.xlane v41, v4  }
0x66: {  	vm1 =	veq.s32 v43, v0;
	vm2 =	vmneg @p1 vm2;
	vm3 =	vmneg @p2 vm3  }
0x67: {  	vm2 =	vmand vm2, vm1;
	vm1 =	vmand vm3, vm1;
	v41 =	vmin.f32 v41, v42  }
0x68: {  	vm3 =	veq.f32 v38, v41;
	vm4 =	veq.f32 v39, v41;
	v35 =	vsel vm2, v41, v35  }
0x69: {  	v42 =	vnsel vm3, $0x40000000, v18;
	v43 =	vnsel vm4, $0x40000000, v26;
	vm3 =	veq.f32 v40, v41  }
0x6a: {  	v42 =	vmin.u32 v42, v43;
	v43 =	vnsel vm3, $0x40000000, v23;
	vm3 =	veq.f32 v16, v41  }
0x6b: {  	v42 =	vmin.u32 v42, v43;
	v43 =	vnsel vm3, $0x40000000, v28;
	vm3 =	veq.f32 v17, v41  }
0x6c: {  	v42 =	vmin.u32 v42, v43;
	v43 =	vnsel vm3, $0x40000000, v33;
	vm3 =	veq.f32 v12, v41  }
0x6d: {  	v42 =	vmin.u32 v42, v43;
	v43 =	vnsel vm3, $0x40000000, v29;
	vm3 =	veq.f32 v13, v41  }
0x6e: {  	v42 =	vmin.u32 v42, v43;
	v43 =	vnsel vm3, $0x40000000, v32;
	vm3 =	veq.f32 v6, v41  }
0x6f: {  	v42 =	vmin.u32 v42, v43;
	v43 =	vnsel vm3, $0x40000000, v27;
	vm3 =	veq.f32 v9, v41  }
0x70: {  	v42 =	vmin.u32 v42, v43;
	v43 =	vnsel vm3, $0x40000000, v30;
	vm3 =	veq.f32 v5, v41  }
0x71: {  	v42 =	vmin.u32 v42, v43;
	v43 =	vnsel vm3, $0x40000000, v24;
	vm3 =	veq.f32 v10, v41  }
0x72: {  	v42 =	vmin.u32 v42, v43;
	v43 =	vnsel vm3, $0x40000000, v31;
	vm3 =	veq.f32 v7, v41  }
0x73: {  	v42 =	vmin.u32 v42, v43;
	v43 =	vnsel vm3, $0x40000000, v25;
	vm3 =	veq.f32 v11, v41  }
0x74: {  	v42 =	vmin.u32 v42, v43;
	v43 =	vnsel vm3, $0x40000000, v21;
	vm3 =	veq.f32 v8, v41  }
0x75: {  	v42 =	vmin.u32 v42, v43;
	v43 =	vnsel vm3, $0x40000000, v22;
	vm3 =	veq.f32 v14, v41  }
0x76: {  	v42 =	vmin.u32 v42, v43;
	v43 =	vnsel vm3, $0x40000000, v19;
	vm3 =	veq.f32 v15, v41  }
0x77: {  	v36 =	vsel vm1, v41, v36;
	v42 =	vmin.u32 v42, v43;
	v43 =	vnsel vm3, $0x40000000, v20  }
0x78: {  	v41 =	vmin.u32 v42, v43  }
0x79: {  	v41 =	vadd.s32 $0x3F800000, v41  }
0x7a: {  	v42 =	vperm.xlane v41, v1;
	_ =	sdelay $0x1  }
0x7b: {  	v41 =	vmin.f32 v41, v42  }
0x7c: {  	v42 =	vperm.xlane v41, v2;
	_ =	sdelay $0x1  }
0x7d: {  	v41 =	vmin.f32 v41, v42  }
0x7e: {  	v42 =	vperm.xlane v41, v3;
	_ =	sdelay $0x1  }
0x7f: {  	v41 =	vmin.f32 v41, v42  }
0x80: {  	v42 =	vperm.xlane v41, v4;
	_ =	sdelay $0x1  }
.Ltmp1:
0x81: {  	v41 =	vmin.f32 v41, v42;
	(pc) =	sbr.rel @p0 .LBB2_2-.Ltmp1, $4  }
0x82: {  	v41 =	vadd.s32 $0xC0800000, v41  }
0x83: {  	vm3 =	veq.s32 v18, v41;
	vm4 =	veq.s32 v26, v41;
	vm5 =	veq.s32 v23, v41  }
0x84: {  	v38 =	vsel vm3, $0x7F800000, v38;
	v39 =	vsel vm4, $0x7F800000, v39;
	v40 =	vsel vm5, $0x7F800000, v40  }
0x85: {  	s15 =	sadd.s32 $0x1, s15;
	vm3 =	veq.s32 v28, v41;
	vm4 =	veq.s32 v33, v41;
	v42 =	vmin.f32 v38, v39  }
0x86: {  	v42 =	vmin.f32 v42, v40;
	v16 =	vsel vm3, $0x7F800000, v16  }
0x87: {  	v17 =	vsel vm4, $0x7F800000, v17;
	vm3 =	veq.s32 v29, v41;
	v42 =	vmin.f32 v42, v16  }
0x88: {  	vm9 =	veq.s32 v32, v41;
	v12 =	vsel vm3, $0x7F800000, v12;
	v42 =	vmin.f32 v42, v17  }
0x89: {  	v13 =	vsel vm9, $0x7F800000, v13;
	vm3 =	veq.s32 v27, v41;
	v42 =	vmin.f32 v42, v12  }
0x8a: {  	vm10 =	veq.s32 v30, v41;
	v6 =	vsel vm3, $0x7F800000, v6;
	v42 =	vmin.f32 v42, v13  }
0x8b: {  	v9 =	vsel vm10, $0x7F800000, v9;
	vm3 =	veq.s32 v24, v41;
	v42 =	vmin.f32 v42, v6  }
0x8c: {  	vm11 =	veq.s32 v31, v41;
	v5 =	vsel vm3, $0x7F800000, v5;
	v42 =	vmin.f32 v42, v9  }
0x8d: {  	v10 =	vsel vm11, $0x7F800000, v10;
	vm3 =	veq.s32 v25, v41;
	v42 =	vmin.f32 v42, v5  }
0x8e: {  	vm12 =	veq.s32 v21, v41;
	v7 =	vsel vm3, $0x7F800000, v7;
	v42 =	vmin.f32 v42, v10  }
0x8f: {  	v11 =	vsel vm12, $0x7F800000, v11;
	vm3 =	veq.s32 v22, v41;
	v42 =	vmin.f32 v42, v7  }
0x90: {  	vm13 =	veq.s32 v19, v41;
	v8 =	vsel vm3, $0x7F800000, v8;
	v42 =	vmin.f32 v42, v11  }
0x91: {  	v14 =	vsel vm13, $0x7F800000, v14;
	vm3 =	veq.s32 v20, v41;
	v42 =	vmin.f32 v42, v8  }
0x92: {  	v15 =	vsel vm3, $0x7F800000, v15;
	v42 =	vmin.f32 v42, v14  }
0x93: {  	v42 =	vmin.f32 v42, v15  }
0x94: {  	v43 =	vperm.xlane v42, v1;
	_ =	sdelay $0x1  }
0x95: {  	v42 =	vmin.f32 v42, v43  }
0x96: {  	v43 =	vperm.xlane v42, v2;
	_ =	sdelay $0x1  }
0x97: {  	v42 =	vmin.f32 v42, v43  }
0x98: {  	v43 =	vperm.xlane v42, v3;
	_ =	sdelay $0x1  }
0x99: {  	v42 =	vmin.f32 v42, v43  }
0x9a: {  	v43 =	vperm.xlane v42, v4;
	_ =	sdelay $0x1  }
0x9b: {  	v42 =	vmin.f32 v42, v43  }
0x9c: {  	vm3 =	veq.f32 v38, v42;
	vm14 =	veq.f32 v39, v42  }
0x9d: {  	v18 =	vnsel vm3, $0x40000000, v18;
	v26 =	vnsel vm14, $0x40000000, v26;
	vm3 =	veq.f32 v40, v42  }
0x9e: {  	v18 =	vmin.u32 v18, v26;
	v23 =	vnsel vm3, $0x40000000, v23;
	vm3 =	veq.f32 v16, v42  }
0x9f: {  	v61 =	vmin.u32 v18, v23;
	v62 =	vnsel vm3, $0x40000000, v28;
	vm3 =	veq.f32 v17, v42  }
0xa0: {  	v16 =	vmin.u32 v61, v62;
	v17 =	vnsel vm3, $0x40000000, v33;
	vm3 =	veq.f32 v12, v42  }
0xa1: {  	v12 =	vmin.u32 v16, v17;
	v63 =	vnsel vm3, $0x40000000, v29;
	vm3 =	veq.f32 v13, v42  }
0xa2: {  	v12 =	vmin.u32 v12, v63;
	v13 =	vnsel vm3, $0x40000000, v32;
	vm3 =	veq.f32 v6, v42  }
0xa3: {  	v6 =	vmin.u32 v12, v13;
	v12 =	vnsel vm3, $0x40000000, v27;
	vm3 =	veq.f32 v9, v42  }
0xa4: {  	v6 =	vmin.u32 v6, v12;
	v9 =	vnsel vm3, $0x40000000, v30;
	vm3 =	veq.f32 v5, v42  }
0xa5: {  	v5 =	vmin.u32 v6, v9;
	v6 =	vnsel vm3, $0x40000000, v24;
	vm3 =	veq.f32 v10, v42  }
0xa6: {  	v5 =	vmin.u32 v5, v6;
	v6 =	vnsel vm3, $0x40000000, v31;
	vm3 =	veq.f32 v7, v42  }
0xa7: {  	v5 =	vmin.u32 v5, v6;
	v6 =	vnsel vm3, $0x40000000, v25;
	vm3 =	veq.f32 v11, v42  }
0xa8: {  	v5 =	vmin.u32 v5, v6;
	v6 =	vnsel vm3, $0x40000000, v21;
	vm3 =	veq.f32 v8, v42  }
0xa9: {  	v5 =	vmin.u32 v5, v6;
	v6 =	vnsel vm3, $0x40000000, v22;
	vm3 =	veq.f32 v14, v42  }
0xaa: {  	v5 =	vmin.u32 v5, v6;
	v6 =	vnsel vm3, $0x40000000, v19;
	vm3 =	veq.f32 v15, v42  }
0xab: {  	v5 =	vmin.u32 v5, v6;
	v6 =	vnsel vm3, $0x40000000, v20  }
0xac: {  	v5 =	vmin.u32 v5, v6  }
0xad: {  	v5 =	vadd.s32 $0x3F800000, v5  }
0xae: {  	v1 =	vperm.xlane v5, v1;
	_ =	sdelay $0x1  }
0xaf: {  	v1 =	vmin.f32 v5, v1  }
0xb0: {  	v2 =	vperm.xlane v1, v2;
	_ =	sdelay $0x1  }
0xb1: {  	v1 =	vmin.f32 v1, v2  }
0xb2: {  	v2 =	vperm.xlane v1, v3  }
0xb3: {  	s15 =	sand.u32 $0xF, s14;
	s28 =	sshrl.u32 s14, $0x4;
	vm5 =	vmmov vm0  }
0xb4: {  	p0 =	seq.s32 s28, $0x0;
	vm3 =	vmmov vm0;
	v3 =	vmov s15;
	v1 =	vmin.f32 v1, v2  }
0xb5: {  	p1 =	seq.s32 s28, $0x1;
	vm3 =	vmneg @p0 vm3;
	vm15 =	veq.s32 v3, v0;
	v0 =	vperm.xlane v1, v4  }
0xb6: {  	vm5 =	vmneg @p1 vm5;
	vm3 =	vmand vm3, vm15  }
0xb7: {  	vm4 =	vmand vm5, vm15;
	v2 =	vsel vm3, v42, v35;
	v0 =	vmin.f32 v1, v0  }
0xb8: {  	v3 =	vsel vm4, v42, v36;
	[tilespmem:$0x100] =	vst v2;
	v1 =	vsel vm2, v41, v34;
	v0 =	vadd.s32 $0xC0800000, v0  }
0xb9: {  	v2 =	vsel vm1, v41, v37;
	[tilespmem:$0x110] =	vst v3;
	v1 =	vsel vm3, v0, v1  }
0xba: {  	v0 =	vsel vm4, v0, v2;
	[tilespmem:$0x180] =	vst v1  }
0xbb: {  	s29 =	simm.s32 $0x100;
	s30 =	simm.s32 $0x2;
	[tilespmem:$0x190] =	vst v0  }
0xbc: {  	[spmem:s13] =	stream.linear.scatter [tilespmem:s29], [sflag:$0x2], $0x30, $0x38;
	[tilespmem:$0x28E0] =	vst v63  }
0xbd: {  	_ =	swait.ge [sflag:s30], $0x30  }
0xbe: {  	[sflag:s30] =	ssyncset.done $0x0  }
0xbf: {  	s31 =	simm.s32 $0x180;
	v9 =	vimm.s32 $0x76543210;
	[sflag:s30] =	ssyncadd.s32 $0xFFFFFFD0  }
0xc0: {  	v7 =	vimm.s32 $0xBA987654;
	v9 =	vunpack.c.l.s4.s8 v9;
	[spmem:s12] =	stream.linear.scatter [tilespmem:s31], [sflag:$0x2], $0x30, $0x38;
	[tilespmem:$0x28E0] =	vst v63  }
0xc1: {  	v7 =	vunpack.c.l.s4.s8 v7;
	v8 =	vimm.s32 $0xFEDCBA98;
	v4 =	vimm.s32 $0x98765432;
	_ =	swait.ge [sflag:s30], $0x30  }
0xc2: {  	v8 =	vunpack.c.l.s4.s8 v8;
	v3 =	vimm.s32 $0x10FEDCBA;
	v4 =	vunpack.c.l.s4.s8 v4;
	[sflag:s30] =	ssyncset.done $0x0  }
0xc3: {  	v3 =	vunpack.c.l.s4.s8 v3;
	v2 =	vimm.s32 $0x87654321;
	v0 =	vimm.s32 $0xFEDCBA9;
	[sflag:s30] =	ssyncadd.s32 $0xFFFFFFD0  }
0xc4: {  	v5 =	vimm.s32 $0x3210FEDC;
	v2 =	vunpack.c.l.s4.s8 v2;
	v1 =	vunpack.c.l.s4.s8 v0;
	s12 =	simm.s32 $0x200;
	[bflag:$0x0] =	sbarrier.arrive $0xFFFF  }
0xc5: {  	v5 =	vunpack.c.l.s4.s8 v5;
	v4 =	vunpack.c.0.s8.s32 v4;
	v3 =	vunpack.c.0.s8.s32 v3;
	[tilespmem:s12], [sflag:$0x2] =	stream.linear.gather [spmem:s11], $0x300, $0x38;
	[tilespmem:$0x28E0] =	vst v63  }
0xc6: {  	v0 =	vlaneseq.u32;
	v2 =	vunpack.c.0.s8.s32 v2;
	v1 =	vunpack.c.0.s8.s32 v1;
	_ =	swait.ge [sflag:s30], $0x300  }
0xc7: {  	v7 =	vunpack.c.0.s8.s32 v7;
	v5 =	vunpack.c.0.s8.s32 v5;
	v6 =	vmul.u32 $0x30, v0;
	[sflag:s30] =	ssyncset.done $0x0  }
0xc8: {  	v13 =	vimm.s32 $0x0;
	v1 =	vcombine.low v2, v1;
	v2 =	vcombine.low v4, v3;
	s11 =	simm.s32 $0x500;
	[sflag:s30] =	ssyncadd.s32 $0xFFFFFD00  }
0xc9: {  	v3 =	vunpack.c.0.s8.s32 v8;
	v4 =	vcombine.low v7, v5;
	v5 =	vunpack.c.0.s8.s32 v9;
	[tilespmem:s11], [sflag:$0x2] =	stream.linear.gather [spmem:s10], $0x300, $0x38;
	[tilespmem:$0x28E0] =	vst v63  }
0xca: {  	v8 =	vimm.s32 $0x0;
	v7 =	vimm.s32 $0x0;
	v11 =	vand.u32 $0xF, v1;
	_ =	swait.ge [sflag:s30], $0x300  }
0xcb: {  	v10 =	vand.u32 $0xF, v2;
	v1 =	vand.u32 $0xF, v3;
	v12 =	vand.u32 $0xF, v4;
	[sflag:s30] =	ssyncset.done $0x0  }
0xcc: {  	v3 =	vimm.s32 $0x0;
	v4 =	vimm.s32 $0x0;
	v2 =	vimm.s32 $0x0;
	[sflag:s30] =	ssyncadd.s32 $0xFFFFFD00  }
0xcd: {  	s13 =	simm.s32 $0x1;
	v9 =	vcombine.low v1, v5;
	v5 =	vimm.s32 $0x0;
	v1 =	vimm.s32 $0x0;
	s10 =	simm.s32 $0x0;
	v14 =	vld.idx.msk [tilespmem:v6+s12+$0x0], $0xffff  }
.LBB2_4:
0xce: {  	p0 =	sne.s32 s13, $0x63;
	_ =	sdelay $0x4  }
0xcf: {  	v15 =	vperm.xlane v14, v11;
	_ =	sdelay $0x1  }
0xd0: {  	v15 =	vmin.f32 v14, v15  }
0xd1: {  	v16 =	vperm.xlane v15, v10;
	_ =	sdelay $0x1  }
0xd2: {  	v15 =	vmin.f32 v15, v16  }
0xd3: {  	v17 =	vperm.xlane v15, v12;
	v16 =	vld.idx.msk [tilespmem:v6+s11+$0x0], $0xffff;
	_ =	sdelay $0x1  }
0xd4: {  	v15 =	vmin.f32 v15, v17  }
0xd5: {  	v17 =	vperm.xlane v15, v9;
	_ =	sdelay $0x1  }
0xd6: {  	v15 =	vmin.f32 v15, v17  }
0xd7: {  	vm1 =	veq.f32 v14, v15;
	v14 =	vadd.s32 $0x3F800000, v16  }
0xd8: {  	v14 =	vnsel vm1, $0x7F800000, v14  }
0xd9: {  	v15 =	vperm.xlane v14, v11;
	_ =	sdelay $0x1  }
0xda: {  	v14 =	vmin.f32 v14, v15  }
0xdb: {  	vm3 =	vmmov vm0;
	vm4 =	vmmov vm0;
	v15 =	vperm.xlane v14, v10  }
0xdc: {  	s14 =	sand.u32 $0xF, s10;
	vm5 =	vmmov vm0;
	vm6 =	vmmov vm0;
	vm7 =	vmmov vm0  }
0xdd: {  	vm8 =	vmmov vm0;
	v14 =	vmin.f32 v14, v15;
	v15 =	vmov s14;
	s14 =	sshrl.u32 s10, $0x4;
	s10 =	smov.u32 s13  }
0xde: {  	vm9 =	vmmov vm0;
	v17 =	vperm.xlane v14, v12;
	vm2 =	veq.s32 v15, v0;
	p1 =	seq.s32 s14, $0x0;
	p2 =	seq.s32 s14, $0x1;
	p3 =	seq.s32 s14, $0x2  }
0xdf: {  	vm3 =	vmneg @p1 vm3;
	vm4 =	vmneg @p2 vm4;
	vm5 =	vmneg @p3 vm5;
	p1 =	seq.s32 s14, $0x3;
	p2 =	seq.s32 s14, $0x4  }
0xe0: {  	v14 =	vmin.f32 v14, v17;
	vm6 =	vmneg @p1 vm6;
	vm7 =	vmneg @p2 vm7;
	p1 =	seq.s32 s14, $0x5;
	p2 =	seq.s32 s14, $0x6  }
0xe1: {  	v15 =	vperm.xlane v14, v9;
	vm8 =	vmneg @p1 vm8;
	vm9 =	vmneg @p2 vm9  }
0xe2: {  	vm3 =	vmand vm3, vm2;
	vm4 =	vmand vm4, vm2;
	vm5 =	vmand vm5, vm2  }
0xe3: {  	vm6 =	vmand vm6, vm2;
	vm7 =	vmand vm7, vm2;
	v14 =	vmin.f32 v14, v15  }
0xe4: {  	vm8 =	vmand vm8, vm2;
	vm2 =	vmand vm9, vm2;
	v14 =	vadd.s32 $0xC0800000, v14  }
0xe5: {  	vm9 =	veq.s32 v16, v14;
	v8 =	vsel vm3, v14, v8;
	v7 =	vsel vm4, v14, v7  }
0xe6: {  	v5 =	vsel vm5, v14, v5;
	v3 =	vsel vm6, v14, v3;
	vm1 =	vmand vm1, vm9  }
0xe7: {  	v4 =	vsel vm7, v14, v4;
	v2 =	vsel vm8, v14, v2;
	v15 =	vsel vm1, $0x1, v13  }
0xe8: {  	v1 =	vsel vm2, v14, v1;
	v6 =	vadd.s32 v15, v6  }
.Ltmp2:
0xe9: {  	(pc) =	sbr.rel @p0 .LBB2_4-.Ltmp2, $2  }
0xea: {  	_ =	sdelay $0x2  }
0xeb: {  	s13 =	sadd.s32 $0x1, s13;
	v14 =	vld.idx.msk [tilespmem:v6+s12+$0x0], $0xffff  }
0xec: {  	_ =	sdelay $0x3  }
0xed: {  	v13 =	vperm.xlane v14, v11;
	_ =	sdelay $0x1  }
0xee: {  	v13 =	vmin.f32 v14, v13  }
0xef: {  	v15 =	vperm.xlane v13, v10;
	_ =	sdelay $0x1  }
0xf0: {  	v13 =	vmin.f32 v13, v15  }
0xf1: {  	v15 =	vperm.xlane v13, v12  }
0xf2: {  	v6 =	vld.idx.msk [tilespmem:v6+s11+$0x0], $0xffff  }
0xf3: {  	v13 =	vmin.f32 v13, v15  }
0xf4: {  	v15 =	vperm.xlane v13, v9;
	_ =	sdelay $0x1  }
0xf5: {  	v13 =	vmin.f32 v13, v15  }
0xf6: {  	v6 =	vadd.s32 $0x3F800000, v6;
	vm1 =	veq.f32 v14, v13  }
0xf7: {  	v6 =	vnsel vm1, $0x7F800000, v6  }
0xf8: {  	v58 =	vperm.xlane v6, v11;
	_ =	sdelay $0x1  }
0xf9: {  	v6 =	vmin.f32 v6, v58  }
0xfa: {  	v59 =	vperm.xlane v6, v10;
	_ =	sdelay $0x1  }
0xfb: {  	v6 =	vmin.f32 v6, v59  }
0xfc: {  	v10 =	vperm.xlane v6, v12  }
0xfd: {  	vm2 =	vmmov vm0  }
0xfe: {  	s30 =	sand.u32 $0xF, s10;
	s31 =	sshrl.u32 s10, $0x4;
	vm3 =	vmmov vm0;
	vm4 =	vmmov vm0;
	v6 =	vmin.f32 v6, v10  }
0xff: {  	vm5 =	vmmov vm0;
	v61 =	vmov s30;
	p0 =	seq.s32 s31, $0x0;
	p1 =	seq.s32 s31, $0x1;
	v60 =	vperm.xlane v6, v9  }
0x100: {  	vm15 =	veq.s32 v61, v0;
	vm2 =	vmneg @p0 vm2;
	p0 =	seq.s32 s31, $0x2;
	vm3 =	vmneg @p1 vm3  }
0x101: {  	vm2 =	vmand vm2, vm15;
	vm4 =	vmneg @p0 vm4;
	p0 =	seq.s32 s31, $0x3;
	v62 =	vmin.f32 v6, v60  }
0x102: {  	vm3 =	vmand vm3, vm15;
	vm5 =	vmneg @p0 vm5;
	v0 =	vadd.s32 $0xC0800000, v62  }
0x103: {  	vm4 =	vmand vm4, vm15;
	vm5 =	vmand vm5, vm15;
	v63 =	vsel vm2, v0, v8  }
0x104: {  	p1 =	seq.s32 s31, $0x4;
	p0 =	seq.s32 s31, $0x5;
	vm2 =	vmmov vm0;
	v7 =	vsel vm3, v0, v7;
	vm3 =	vmmov vm0;
	[tilespmem:$0x800] =	vst v63  }
0x105: {  	v5 =	vsel vm4, v0, v5;
	vm2 =	vmneg @p1 vm2;
	[tilespmem:$0x810] =	vst v7;
	vm3 =	vmneg @p0 vm3;
	p0 =	sne.s32 s1, $0x0  }
.Ltmp3:
0x106: {  	v3 =	vsel vm5, v0, v3;
	p1 =	seq.s32 s31, $0x6;
	[tilespmem:$0x820] =	vst v5;
	vm2 =	vmand vm2, vm15;
	(pc) =	sbr.rel @!p0 .LBB2_6-.Ltmp3, $4  }
0x107: {  	[tilespmem:$0x830] =	vst v3;
	vm0 =	vmneg @p1 vm0;
	vm3 =	vmand vm3, vm15;
	v4 =	vsel vm2, v0, v4  }
0x108: {  	vm0 =	vmand vm0, vm15;
	v2 =	vsel vm3, v0, v2;
	[tilespmem:$0x840] =	vst v4  }
0x109: {  	v0 =	vsel vm0, v0, v1;
	[tilespmem:$0x850] =	vst v2  }
0x10a: {  	[tilespmem:$0x860] =	vst v0  }
0x10b: {  	p0 =	sgt.u32 s1, $0xB  }
.Ltmp4:
0x10c: {  	_ = 	snop;
	(pc) =	sbr.rel @!p0 .LBB2_8-.Ltmp4, $1  }
0x10d: {  	_ =	sdelay $0x3  }
0x10e: {  	p0 =	sne.s32 s1, $0xC  }
0x10f: {  	v0 =	vld.msk @!p0 [tilespmem:$0x860], $0xff;
	_ =	sdelay $0x4  }
0x110: {  	v1 =	vshll.u32 @!p0 v0, $0x3  }
0x111: {  	v2 =	vlaneseq.u32 @!p0;
	v0 =	vand.u32 @!p0 $0x7, v0;
	v1 =	vand.u32 @!p0 $0xFFFFFFC0, v1  }
0x112: {  	v0 =	vor.u32 @!p0 v0, v1;
	v1 =	vand.u32 @!p0 $0x7, v2;
	v2 =	vshrl.u32 @!p0 v2, $0x3  }
0x113: {  	v0 =	vperm.xlane @!p0 v0, v1;
	v1 =	vmul.u32 @!p0 $0x8, v2;
	_ =	sdelay $0x1  }
0x114: {  	v0 =	vadd.s32 @!p0 v1, v0;
	_ =	sdelay $0x3  }
0x115: {  	vm0 =	vmmov @!p0 $0xffff;
	s3 =	simm.s32 @!p0 $0x0;
	s8 =	simm.s32 @!p0 $0x880  }
0x116: {  	[tilespmem:s8], [sflag:$0x1] =	stream.indirect_vreg.gather @!p0 [hbm4b:s2+s3], $0x80, v0, vm0, $0xb8;
	[tilespmem:$0x28E0] =	vst v63  }
0x117: {  	s2 =	simm.s32 @!p0 $0x1080  }
0x118: {  	[tilespmem:s2], [sflag:$0x1] =	stream.indirect_vreg.gather @!p0 [hbm4b:s5+s3], $0x80, v0, vm0, $0xb8;
	[tilespmem:$0x28E0] =	vst v63  }
0x119: {  	s5 =	simm.s32 @!p0 $0x1880  }
0x11a: {  	[tilespmem:s5], [sflag:$0x1] =	stream.indirect_vreg.gather @!p0 [hbm4b:s6+s3], $0x80, v0, vm0, $0xb8;
	[tilespmem:$0x28E0] =	vst v63  }
0x11b: {  	s6 =	simm.s32 @!p0 $0x2080  }
0x11c: {  	[tilespmem:s6], [sflag:$0x1] =	stream.indirect_vreg.gather @!p0 [hbm4b:s4+s3], $0x80, v0, vm0, $0xb8;
	[tilespmem:$0x28E0] =	vst v63  }
0x11d: {  	s4 =	simm.s32 @!p0 $0x1  }
0x11e: {  	_ =	swait.ge @!p0 [sflag:s4], $0x2000  }
0x11f: {  	[sflag:s4] =	ssyncset.done @!p0 $0x0  }
0x120: {  	[sflag:s4] =	ssyncadd.s32 @!p0 $0xFFFFE000  }
0x121: {  	[hbm4b:s7+s3] =	stream.linear.scatter @!p0 [tilespmem:s8], [sflag:$0x2], $0x200, $0x38;
	[tilespmem:$0x28E0] =	vst v63  }
0x122: {  	s4 =	sadd.s32 @!p0 $0x80, s7;
	s8 =	simm.s32 @!p0 $0xC80  }
0x123: {  	[hbm4b:s4+s3] =	stream.linear.scatter @!p0 [tilespmem:s8], [sflag:$0x2], $0x200, $0x38;
	[tilespmem:$0x28E0] =	vst v63  }
0x124: {  	s4 =	sadd.s32 @!p0 $0x100, s7  }
0x125: {  	[hbm4b:s4+s3] =	stream.linear.scatter @!p0 [tilespmem:s2], [sflag:$0x2], $0x200, $0x38;
	[tilespmem:$0x28E0] =	vst v63  }
0x126: {  	s2 =	sadd.s32 @!p0 $0x180, s7;
	s4 =	simm.s32 @!p0 $0x1480  }
0x127: {  	[hbm4b:s2+s3] =	stream.linear.scatter @!p0 [tilespmem:s4], [sflag:$0x2], $0x200, $0x38;
	[tilespmem:$0x28E0] =	vst v63  }
0x128: {  	s2 =	sadd.s32 @!p0 $0x200, s7  }
0x129: {  	[hbm4b:s2+s3] =	stream.linear.scatter @!p0 [tilespmem:s5], [sflag:$0x2], $0x200, $0x38;
	[tilespmem:$0x28E0] =	vst v63  }
0x12a: {  	s4 =	simm.s32 @!p0 $0x1C80;
	s2 =	sadd.s32 @!p0 $0x280, s7  }
0x12b: {  	[hbm4b:s2+s3] =	stream.linear.scatter @!p0 [tilespmem:s4], [sflag:$0x2], $0x200, $0x38;
	[tilespmem:$0x28E0] =	vst v63  }
0x12c: {  	s2 =	sadd.s32 @!p0 $0x300, s7  }
0x12d: {  	[hbm4b:s2+s3] =	stream.linear.scatter @!p0 [tilespmem:s6], [sflag:$0x2], $0x200, $0x38;
	[tilespmem:$0x28E0] =	vst v63  }
0x12e: {  	s4 =	simm.s32 @!p0 $0x2480;
	s2 =	sadd.s32 @!p0 $0x380, s7  }
0x12f: {  	[hbm4b:s2+s3] =	stream.linear.scatter @!p0 [tilespmem:s4], [sflag:$0x2], $0x200, $0x38;
	[tilespmem:$0x28E0] =	vst v63  }
.Ltmp5:
0x130: {  	_ = 	snop;
	(pc) =	sbr.rel .LBB2_10-.Ltmp5, $4  }
0x131: {  	s2 =	simm.s32 @!p0 $0x2  }
0x132: {  	_ =	swait.ge @!p0 [sflag:s2], $0x1000  }
0x133: {  	[sflag:s2] =	ssyncset.done @!p0 $0x0  }
0x134: {  	[sflag:s2] =	ssyncadd.s32 @!p0 $0xFFFFF000  }
.LBB2_6:
0x135: {  	s7 =	simm.s32 $0x0;
	s10 =	simm.s32 $0x800;
	s31 =	simm.s32 $0x2  }
0x136: {  	[hbm4b:s3+s7] =	stream.linear.scatter [tilespmem:s10], [sflag:$0x2], $0x80, $0x38;
	[tilespmem:$0x28E0] =	vst v63  }
0x137: {  	_ =	swait.ge [sflag:s31], $0x80  }
0x138: {  	[sflag:s31] =	ssyncset.done $0x0  }
0x139: {  	[sflag:s31] =	ssyncadd.s32 $0xFFFFFF80  }
.LBB2_8:
0x13a: {  	v0 =	vld.msk [tilespmem:s9+$0x0], $0xff;
	_ =	sdelay $0x4  }
0x13b: {  	v1 =	vshll.u32 v0, $0x3  }
0x13c: {  	v2 =	vlaneseq.u32;
	v0 =	vand.u32 $0x7, v0;
	v1 =	vand.u32 $0xFFFFFFC0, v1  }
0x13d: {  	v62 =	vand.u32 $0x7, v2;
	v2 =	vshrl.u32 v2, $0x3;
	v0 =	vor.u32 v0, v1  }
0x13e: {  	v63 =	vmul.u32 $0x8, v2;
	v0 =	vperm.xlane v0, v62;
	_ =	sdelay $0x1  }
0x13f: {  	v0 =	vadd.s32 v63, v0;
	_ =	sdelay $0x3  }
0x140: {  	vm0 =	vmmov $0xffff;
	s3 =	simm.s32 $0x0;
	s7 =	simm.s32 $0x880  }
0x141: {  	[tilespmem:s7], [sflag:$0x1] =	stream.indirect_vreg.gather [hbm4b:s2+s3], $0x80, v0, vm0, $0xb8;
	[tilespmem:$0x28E0] =	vst v63  }
0x142: {  	s26 =	simm.s32 $0x1080  }
0x143: {  	[tilespmem:s26], [sflag:$0x1] =	stream.indirect_vreg.gather [hbm4b:s5+s3], $0x80, v0, vm0, $0xb8;
	[tilespmem:$0x28E0] =	vst v63  }
0x144: {  	s28 =	simm.s32 $0x1880  }
0x145: {  	[tilespmem:s28], [sflag:$0x1] =	stream.indirect_vreg.gather [hbm4b:s6+s3], $0x80, v0, vm0, $0xb8;
	[tilespmem:$0x28E0] =	vst v63  }
0x146: {  	s29 =	simm.s32 $0x2080;
	s30 =	simm.s32 $0x1  }
0x147: {  	[tilespmem:s29], [sflag:$0x1] =	stream.indirect_vreg.gather [hbm4b:s4+s3], $0x80, v0, vm0, $0xb8;
	[tilespmem:$0x28E0] =	vst v63  }
0x148: {  	_ =	swait.ge [sflag:s30], $0x2000  }
0x149: {  	[sflag:s30] =	ssyncset.done $0x0  }
0x14a: {  	s31 =	simm.s32 $0x2;
	[sflag:s30] =	ssyncadd.s32 $0xFFFFE000  }
0x14b: {  	[hbm4b:s8+s3] =	stream.linear.scatter [tilespmem:s7], [sflag:$0x2], $0x2000, $0x38;
	[tilespmem:$0x28E0] =	vst v63  }
0x14c: {  	_ =	swait.ge [sflag:s31], $0x2000  }
0x14d: {  	[sflag:s31] =	ssyncset.done $0x0  }
0x14e: {  	[sflag:s31] =	ssyncadd.s32 $0xFFFFE000  }
.LBB2_10:
0x14f: {  	_ =	sfence.sel $0x180000  }
0x150: {  	[bflag:$0x0] =	sbarrier.arrive $0xFFFF  }
0x151: {  	p0 =	sne.s32 s1, $0x0;
	_ =	strace $0x90000047  }
0x152: {  	s0 =	sadd.s32 @!p0 $0x100000, s0;
	[bflag:$0x2] =	sbarrier.arrive $0xFFFF  }
0x153: {  	[sflag:s0] =	ssyncadd.tile.s32 @!p0 $0x1;
	_ =	shalt  }
.Lfunc_end2:
_tile_overlayer_lowered:
.L_overlay_start_2:
0x154: {  	(tag) =	ssettag $0x2  }
0x155: {  	s0 =	rddreg [dreg:$0x0];
	s2 =	stileid.u32  }
0x156: {  	s1 =	rddreg [dreg:$0x1];
	p0 =	sne.s32 s2, $0x0  }
0x157: {  	s3 =	rddreg [dreg:$0x2];
	[bflag:$0x3] =	sbarrier.arrive $0xFFFF;
	s2 =	simm.s32 @!p0 $0x1C02  }
0x158: {  	[timem:s3], [sflag:s2] =	dma.local @!p0 [hbm:s0], s1  }
0x159: {  	s0 =	simm.s32 @!p0 $0x2  }
0x15a: {  	_ =	swait.ge @!p0 [sflag:s0], s1  }
0x15b: {  	s1 =	ssub.s32 @!p0 $0x0, s1;
	[sflag:s0] =	ssyncset.done @!p0 $0x0  }
0x15c: {  	[sflag:s0] =	ssyncadd.s32 @!p0 s1  }
0x15d: {  	[bflag:$0x3] =	sbarrier.arrive $0xFFFF  }
0x15e: {  	_ =	shalt  }

</sc_bundles>
